<compile_context>
chip_gen: v7x
topology: tpu7x:2x2x1
jax: 0.10.2.dev20260603
libtpu: 0.0.44.dev20260713+nightly
codegen_flags: <defaults>
</compile_context>

<pallas_src>
import functools

import jax
import jax.numpy as jnp
from jax.experimental import pallas as pl

_KMAX = 0.2
_KMIN = 0.2
_ALPHA = 0.7


def _pos_k(k, n):
    if k <= 0:
        return 0
    elif k < 1:
        return int(round(k * n))
    elif k > n:
        return int(n)
    else:
        return int(k)


def _inv_map(u):
    bits = jnp.where(u & jnp.uint32(0x80000000) != 0, u ^ jnp.uint32(0x80000000), ~u)
    return jax.lax.bitcast_convert_type(bits, jnp.float32)


def _bias16(c):
    return (c.astype(jnp.int32) - 32768).astype(jnp.int16)


def _count16(mask_src, one, nil):
    m = jnp.where(mask_src, one, nil)
    s = m.shape[0]
    while s > 16:
        h = s // 2
        m = m[:h] + m[h:s]
        s = h
    return jnp.sum(m.astype(jnp.int32), axis=0, keepdims=True)


def _select_kernel(x_ref, o_ref, *, kmax, kmin):
    x = x_ref[...]
    bits = jax.lax.bitcast_convert_type(x, jnp.uint32)
    neg = (bits >> jnp.uint32(31)) != 0
    u32 = jnp.where(neg, ~bits, bits | jnp.uint32(0x80000000))
    u = ((u32 >> jnp.uint32(16)).astype(jnp.int32) - 32768).astype(jnp.int16)

    L = x.shape[1]
    zero = jnp.zeros((1, L), jnp.uint32)
    one = jnp.int16(1)
    nil = jnp.int16(0)

    def body(i, carry):
        ph, plo, bit = carry
        cand_h = ph | bit
        cand_l = plo | bit
        cnt_h = _count16(u >= _bias16(cand_h), one, nil)
        cnt_l = _count16(u <= _bias16(~cand_l & jnp.uint32(0xFFFF)), one, nil)
        ph = jnp.where(cnt_h >= kmax, cand_h, ph)
        plo = jnp.where(cnt_l >= kmin, cand_l, plo)
        return ph, plo, bit >> jnp.uint32(1)

    bit0 = jnp.full((1, L), 0x8000, jnp.uint32)
    ph, plo, _ = jax.lax.fori_loop(0, 13, body, (zero, zero, bit0), unroll=7)

    gt = u > _bias16(ph)
    cnt_gt = _count16(gt, one, nil).astype(jnp.float32)
    sum_gt = jnp.sum(jnp.where(gt, x, 0.0), axis=0, keepdims=True)
    xk_h = _inv_map(ph << jnp.uint32(16))
    top = sum_gt + (kmax - cnt_gt) * xk_h

    lt = u < _bias16(~plo & jnp.uint32(0xFFFF))
    cnt_lt = _count16(lt, one, nil).astype(jnp.float32)
    sum_lt = jnp.sum(jnp.where(lt, x, 0.0), axis=0, keepdims=True)
    xk_l = _inv_map(~(plo << jnp.uint32(16)))
    bot = sum_lt + (kmin - cnt_lt) * xk_l

    o_ref[...] = (top * (1.0 / kmax) + bot * (_ALPHA / kmin)) * 0.5


def kernel(input):
    B, C, H, W = input.shape
    n = H * W
    kmax = _pos_k(_KMAX, n)
    kmin = _pos_k(_KMIN, n)
    R = B * C
    xt = input.reshape(R, n).T

    L = 512
    out = pl.pallas_call(
        functools.partial(_select_kernel, kmax=kmax, kmin=kmin),
        grid=(R // L,),
        in_specs=[pl.BlockSpec((n, L), lambda i: (0, i))],
        out_specs=pl.BlockSpec((1, L), lambda i: (0, i)),
        out_shape=jax.ShapeDtypeStruct((1, R), jnp.float32),
    )(xt)
    return out.reshape(B, C)

# --- scband reference (transcript-rebuilt; emitter-appended) ---
"""Pipeline reference for scband-wildcat-pool2d-10797547782186 (READ-ONLY COPY).

The authoritative reference and input builder live on the scoring server;
editing this copy changes nothing except your own understanding.
"""

import jax, jax.numpy as jnp
import numpy as np

KMAX = 0.2
KMIN = 0.2
ALPHA = 0.7


def get_positive_k(k, n):
    if k <= 0:
        return 0
    elif k < 1:
        return int(round(k * n))
    elif k > n:
        return int(n)
    else:
        return int(k)


def setup_inputs(seed: int = 0) -> dict:
    key = jax.random.key(seed)
    x = jax.random.normal(key, (32, 768, 32, 32), dtype=jnp.float32)
    return {"input": x}


def reference(input):
    B, C, H, W = input.shape
    n = H * W
    kmax = get_positive_k(KMAX, n)
    kmin = get_positive_k(KMIN, n)
    flat = input.reshape(B, C, n)
    # sort descending along spatial dim
    s = jnp.sort(flat, axis=2)[:, :, ::-1]
    out = jnp.sum(s[:, :, :kmax], axis=2) / kmax
    if kmin > 0 and ALPHA != 0:
        out = (out + jnp.sum(s[:, :, n - kmin:], axis=2) * (ALPHA / kmin)) / 2.0
    return out.reshape(B, C)

if __name__ == "__main__":
    import jax
    _d = setup_inputs()
    print(jax.jit(kernel)(*tuple(_d.values())))

</pallas_src>

<mosaic_0001>
module attributes {stable_mosaic.version = 14 : i64} {
  func.func @_select_kernel(%arg0: i32, %arg1: memref<1024x512xf32, #tpu.memory_space<vmem>>, %arg2: memref<1x512xf32, #tpu.memory_space<vmem>>) attributes {dimension_semantics = [#tpu.dimension_semantics<arbitrary>], iteration_bounds = array<i64: 48>, scalar_prefetch = 0 : i64, scratch_operands = 0 : i64, tpu.core_type = #tpu.core_type<tc>, window_params = [{transform_indices = @transform_0, window_bounds = array<i64: 1024, 512>}, {transform_indices = @transform_1, window_bounds = array<i64: 1, 512>}]} {
    %get3A = arith.constant 0 : index
    %get3A_0 = arith.constant 0 : index
    %get3A_1 = vector.load %arg1[%get3A, %get3A_0] : memref<1024x512xf32, #tpu.memory_space<vmem>>, vector<1024x512xf32>
    %bitcast_convert_type3A = tpu.bitcast %get3A_1 : vector<1024x512xf32> -> vector<1024x512xi32>
    %shift_right_logical3A = arith.constant 31 : i32
    %shift_right_logical3A_2 = vector.broadcast %shift_right_logical3A : i32 to vector<1024x512xi32>
    %shift_right_logical3A_3 = arith.shrui %bitcast_convert_type3A, %shift_right_logical3A_2 : vector<1024x512xi32>
    %ne3A = arith.constant 0 : i32
    %ne3A_4 = vector.broadcast %ne3A : i32 to vector<1024x512xi32>
    %ne3A_5 = arith.cmpi ne, %shift_right_logical3A_3, %ne3A_4 : vector<1024x512xi32>
    %not3A = arith.constant dense<-1> : vector<1024x512xi32>
    %not3A_6 = arith.xori %bitcast_convert_type3A, %not3A : vector<1024x512xi32>
    %or3A = arith.constant -2147483648 : i32
    %or3A_7 = vector.broadcast %or3A : i32 to vector<1024x512xi32>
    %or3A_8 = arith.ori %bitcast_convert_type3A, %or3A_7 : vector<1024x512xi32>
    %select_n3A = arith.select %ne3A_5, %not3A_6, %or3A_8 : vector<1024x512xi1>, vector<1024x512xi32>
    %shift_right_logical3A_9 = arith.constant 16 : i32
    %shift_right_logical3A_10 = vector.broadcast %shift_right_logical3A_9 : i32 to vector<1024x512xi32>
    %shift_right_logical3A_11 = arith.shrui %select_n3A, %shift_right_logical3A_10 : vector<1024x512xi32>
    %sub3A = arith.constant 32768 : i32
    %sub3A_12 = vector.broadcast %sub3A : i32 to vector<1024x512xi32>
    %sub3A_13 = arith.subi %shift_right_logical3A_11, %sub3A_12 : vector<1024x512xi32>
    %convert_element_type3A = arith.trunci %sub3A_13 : vector<1024x512xi32> to vector<1024x512xi16>
    %broadcast_in_dim3A = arith.constant 0 : i32
    %broadcast_in_dim3A_14 = vector.broadcast %broadcast_in_dim3A : i32 to vector<1x512xi32>
    %broadcast_in_dim3A_15 = arith.constant 32768 : i32
    %broadcast_in_dim3A_16 = vector.broadcast %broadcast_in_dim3A_15 : i32 to vector<1x512xi32>
    %scan3A = arith.constant 1 : i16
    %scan3A_17 = arith.constant 0 : i16
    %scan3A_18 = arith.constant 0 : i32
    %scan3A_19 = arith.constant 7 : i32
    %scan3A_20 = arith.addi %scan3A_18, %scan3A_19 : i32
    %scan3A_21 = arith.constant 7 : i32
    %scan3A_22:3 = scf.for %scan3A_644 = %scan3A_18 to %scan3A_20 step %scan3A_21 iter_args(%scan3A_645 = %broadcast_in_dim3A_14, %scan3A_646 = %broadcast_in_dim3A_14, %scan3A_647 = %broadcast_in_dim3A_16) -> (vector<1x512xi32>, vector<1x512xi32>, vector<1x512xi32>)  : i32 {
      %or3A_648 = arith.ori %scan3A_645, %scan3A_647 : vector<1x512xi32>
      %or3A_649 = arith.ori %scan3A_646, %scan3A_647 : vector<1x512xi32>
      %sub3A_650 = arith.constant 32768 : i32
      %sub3A_651 = vector.broadcast %sub3A_650 : i32 to vector<1x512xi32>
      %sub3A_652 = arith.subi %or3A_648, %sub3A_651 : vector<1x512xi32>
      %convert_element_type3A_653 = arith.trunci %sub3A_652 : vector<1x512xi32> to vector<1x512xi16>
      %ge3A_654 = vector.broadcast %convert_element_type3A_653 : vector<1x512xi16> to vector<1024x512xi16>
      %ge3A_655 = arith.cmpi sge, %convert_element_type3A, %ge3A_654 : vector<1024x512xi16>
      %broadcast_in_dim3A_656 = vector.broadcast %scan3A : i16 to vector<1024x512xi16>
      %broadcast_in_dim3A_657 = vector.broadcast %scan3A_17 : i16 to vector<1024x512xi16>
      %select_n3A_658 = arith.select %ge3A_655, %broadcast_in_dim3A_656, %broadcast_in_dim3A_657 : vector<1024x512xi1>, vector<1024x512xi16>
      %slice3A_659 = vector.extract_strided_slice %select_n3A_658 {offsets = [0, 0], sizes = [512, 512], strides = [1, 1]} : vector<1024x512xi16> to vector<512x512xi16>
      %slice3A_660 = vector.extract_strided_slice %select_n3A_658 {offsets = [512, 0], sizes = [512, 512], strides = [1, 1]} : vector<1024x512xi16> to vector<512x512xi16>
      %add3A_661 = arith.addi %slice3A_659, %slice3A_660 : vector<512x512xi16>
      %slice3A_662 = vector.extract_strided_slice %add3A_661 {offsets = [0, 0], sizes = [256, 512], strides = [1, 1]} : vector<512x512xi16> to vector<256x512xi16>
      %slice3A_663 = vector.extract_strided_slice %add3A_661 {offsets = [256, 0], sizes = [256, 512], strides = [1, 1]} : vector<512x512xi16> to vector<256x512xi16>
      %add3A_664 = arith.addi %slice3A_662, %slice3A_663 : vector<256x512xi16>
      %slice3A_665 = vector.extract_strided_slice %add3A_664 {offsets = [0, 0], sizes = [128, 512], strides = [1, 1]} : vector<256x512xi16> to vector<128x512xi16>
      %slice3A_666 = vector.extract_strided_slice %add3A_664 {offsets = [128, 0], sizes = [128, 512], strides = [1, 1]} : vector<256x512xi16> to vector<128x512xi16>
      %add3A_667 = arith.addi %slice3A_665, %slice3A_666 : vector<128x512xi16>
      %slice3A_668 = vector.extract_strided_slice %add3A_667 {offsets = [0, 0], sizes = [64, 512], strides = [1, 1]} : vector<128x512xi16> to vector<64x512xi16>
      %slice3A_669 = vector.extract_strided_slice %add3A_667 {offsets = [64, 0], sizes = [64, 512], strides = [1, 1]} : vector<128x512xi16> to vector<64x512xi16>
      %add3A_670 = arith.addi %slice3A_668, %slice3A_669 : vector<64x512xi16>
      %slice3A_671 = vector.extract_strided_slice %add3A_670 {offsets = [0, 0], sizes = [32, 512], strides = [1, 1]} : vector<64x512xi16> to vector<32x512xi16>
      %slice3A_672 = vector.extract_strided_slice %add3A_670 {offsets = [32, 0], sizes = [32, 512], strides = [1, 1]} : vector<64x512xi16> to vector<32x512xi16>
      %add3A_673 = arith.addi %slice3A_671, %slice3A_672 : vector<32x512xi16>
      %slice3A_674 = vector.extract_strided_slice %add3A_673 {offsets = [0, 0], sizes = [16, 512], strides = [1, 1]} : vector<32x512xi16> to vector<16x512xi16>
      %slice3A_675 = vector.extract_strided_slice %add3A_673 {offsets = [16, 0], sizes = [16, 512], strides = [1, 1]} : vector<32x512xi16> to vector<16x512xi16>
      %add3A_676 = arith.addi %slice3A_674, %slice3A_675 : vector<16x512xi16>
      %convert_element_type3A_677 = arith.extsi %add3A_676 : vector<16x512xi16> to vector<16x512xi32>
      %reduce_sum3A_678 = arith.constant dense<0> : vector<512xi32>
      %reduce_sum3A_679 = vector.multi_reduction <add>, %convert_element_type3A_677, %reduce_sum3A_678 [0] : vector<16x512xi32> to vector<512xi32>
      %broadcast_in_dim3A_680 = vector.shape_cast %reduce_sum3A_679 : vector<512xi32> to vector<1x512xi32>
      %not3A_681 = arith.constant dense<-1> : vector<1x512xi32>
      %not3A_682 = arith.xori %or3A_649, %not3A_681 : vector<1x512xi32>
      %and3A_683 = arith.constant 65535 : i32
      %and3A_684 = vector.broadcast %and3A_683 : i32 to vector<1x512xi32>
      %and3A_685 = arith.andi %not3A_682, %and3A_684 : vector<1x512xi32>
      %sub3A_686 = arith.constant 32768 : i32
      %sub3A_687 = vector.broadcast %sub3A_686 : i32 to vector<1x512xi32>
      %sub3A_688 = arith.subi %and3A_685, %sub3A_687 : vector<1x512xi32>
      %convert_element_type3A_689 = arith.trunci %sub3A_688 : vector<1x512xi32> to vector<1x512xi16>
      %le3A_690 = vector.broadcast %convert_element_type3A_689 : vector<1x512xi16> to vector<1024x512xi16>
      %le3A_691 = arith.cmpi sle, %convert_element_type3A, %le3A_690 : vector<1024x512xi16>
      %broadcast_in_dim3A_692 = vector.broadcast %scan3A : i16 to vector<1024x512xi16>
      %broadcast_in_dim3A_693 = vector.broadcast %scan3A_17 : i16 to vector<1024x512xi16>
      %select_n3A_694 = arith.select %le3A_691, %broadcast_in_dim3A_692, %broadcast_in_dim3A_693 : vector<1024x512xi1>, vector<1024x512xi16>
      %slice3A_695 = vector.extract_strided_slice %select_n3A_694 {offsets = [0, 0], sizes = [512, 512], strides = [1, 1]} : vector<1024x512xi16> to vector<512x512xi16>
      %slice3A_696 = vector.extract_strided_slice %select_n3A_694 {offsets = [512, 0], sizes = [512, 512], strides = [1, 1]} : vector<1024x512xi16> to vector<512x512xi16>
      %add3A_697 = arith.addi %slice3A_695, %slice3A_696 : vector<512x512xi16>
      %slice3A_698 = vector.extract_strided_slice %add3A_697 {offsets = [0, 0], sizes = [256, 512], strides = [1, 1]} : vector<512x512xi16> to vector<256x512xi16>
      %slice3A_699 = vector.extract_strided_slice %add3A_697 {offsets = [256, 0], sizes = [256, 512], strides = [1, 1]} : vector<512x512xi16> to vector<256x512xi16>
      %add3A_700 = arith.addi %slice3A_698, %slice3A_699 : vector<256x512xi16>
      %slice3A_701 = vector.extract_strided_slice %add3A_700 {offsets = [0, 0], sizes = [128, 512], strides = [1, 1]} : vector<256x512xi16> to vector<128x512xi16>
      %slice3A_702 = vector.extract_strided_slice %add3A_700 {offsets = [128, 0], sizes = [128, 512], strides = [1, 1]} : vector<256x512xi16> to vector<128x512xi16>
      %add3A_703 = arith.addi %slice3A_701, %slice3A_702 : vector<128x512xi16>
      %slice3A_704 = vector.extract_strided_slice %add3A_703 {offsets = [0, 0], sizes = [64, 512], strides = [1, 1]} : vector<128x512xi16> to vector<64x512xi16>
      %slice3A_705 = vector.extract_strided_slice %add3A_703 {offsets = [64, 0], sizes = [64, 512], strides = [1, 1]} : vector<128x512xi16> to vector<64x512xi16>
      %add3A_706 = arith.addi %slice3A_704, %slice3A_705 : vector<64x512xi16>
      %slice3A_707 = vector.extract_strided_slice %add3A_706 {offsets = [0, 0], sizes = [32, 512], strides = [1, 1]} : vector<64x512xi16> to vector<32x512xi16>
      %slice3A_708 = vector.extract_strided_slice %add3A_706 {offsets = [32, 0], sizes = [32, 512], strides = [1, 1]} : vector<64x512xi16> to vector<32x512xi16>
      %add3A_709 = arith.addi %slice3A_707, %slice3A_708 : vector<32x512xi16>
      %slice3A_710 = vector.extract_strided_slice %add3A_709 {offsets = [0, 0], sizes = [16, 512], strides = [1, 1]} : vector<32x512xi16> to vector<16x512xi16>
      %slice3A_711 = vector.extract_strided_slice %add3A_709 {offsets = [16, 0], sizes = [16, 512], strides = [1, 1]} : vector<32x512xi16> to vector<16x512xi16>
      %add3A_712 = arith.addi %slice3A_710, %slice3A_711 : vector<16x512xi16>
      %convert_element_type3A_713 = arith.extsi %add3A_712 : vector<16x512xi16> to vector<16x512xi32>
      %reduce_sum3A_714 = arith.constant dense<0> : vector<512xi32>
      %reduce_sum3A_715 = vector.multi_reduction <add>, %convert_element_type3A_713, %reduce_sum3A_714 [0] : vector<16x512xi32> to vector<512xi32>
      %broadcast_in_dim3A_716 = vector.shape_cast %reduce_sum3A_715 : vector<512xi32> to vector<1x512xi32>
      %ge3A_717 = arith.constant 205 : i32
      %ge3A_718 = vector.broadcast %ge3A_717 : i32 to vector<1x512xi32>
      %ge3A_719 = arith.cmpi sge, %broadcast_in_dim3A_680, %ge3A_718 : vector<1x512xi32>
      %select_n3A_720 = arith.select %ge3A_719, %or3A_648, %scan3A_645 : vector<1x512xi1>, vector<1x512xi32>
      %ge3A_721 = arith.constant 205 : i32
      %ge3A_722 = vector.broadcast %ge3A_721 : i32 to vector<1x512xi32>
      %ge3A_723 = arith.cmpi sge, %broadcast_in_dim3A_716, %ge3A_722 : vector<1x512xi32>
      %select_n3A_724 = arith.select %ge3A_723, %or3A_649, %scan3A_646 : vector<1x512xi1>, vector<1x512xi32>
      %shift_right_logical3A_725 = arith.constant 1 : i32
      %shift_right_logical3A_726 = vector.broadcast %shift_right_logical3A_725 : i32 to vector<1x512xi32>
      %shift_right_logical3A_727 = arith.shrui %scan3A_647, %shift_right_logical3A_726 : vector<1x512xi32>
      %scan3A_728 = arith.constant 1 : i32
      %scan3A_729 = arith.addi %scan3A_644, %scan3A_728 : i32
      %or3A_730 = arith.ori %select_n3A_720, %shift_right_logical3A_727 : vector<1x512xi32>
      %or3A_731 = arith.ori %select_n3A_724, %shift_right_logical3A_727 : vector<1x512xi32>
      %sub3A_732 = arith.constant 32768 : i32
      %sub3A_733 = vector.broadcast %sub3A_732 : i32 to vector<1x512xi32>
      %sub3A_734 = arith.subi %or3A_730, %sub3A_733 : vector<1x512xi32>
      %convert_element_type3A_735 = arith.trunci %sub3A_734 : vector<1x512xi32> to vector<1x512xi16>
      %ge3A_736 = vector.broadcast %convert_element_type3A_735 : vector<1x512xi16> to vector<1024x512xi16>
      %ge3A_737 = arith.cmpi sge, %convert_element_type3A, %ge3A_736 : vector<1024x512xi16>
      %broadcast_in_dim3A_738 = vector.broadcast %scan3A : i16 to vector<1024x512xi16>
      %broadcast_in_dim3A_739 = vector.broadcast %scan3A_17 : i16 to vector<1024x512xi16>
      %select_n3A_740 = arith.select %ge3A_737, %broadcast_in_dim3A_738, %broadcast_in_dim3A_739 : vector<1024x512xi1>, vector<1024x512xi16>
      %slice3A_741 = vector.extract_strided_slice %select_n3A_740 {offsets = [0, 0], sizes = [512, 512], strides = [1, 1]} : vector<1024x512xi16> to vector<512x512xi16>
      %slice3A_742 = vector.extract_strided_slice %select_n3A_740 {offsets = [512, 0], sizes = [512, 512], strides = [1, 1]} : vector<1024x512xi16> to vector<512x512xi16>
      %add3A_743 = arith.addi %slice3A_741, %slice3A_742 : vector<512x512xi16>
      %slice3A_744 = vector.extract_strided_slice %add3A_743 {offsets = [0, 0], sizes = [256, 512], strides = [1, 1]} : vector<512x512xi16> to vector<256x512xi16>
      %slice3A_745 = vector.extract_strided_slice %add3A_743 {offsets = [256, 0], sizes = [256, 512], strides = [1, 1]} : vector<512x512xi16> to vector<256x512xi16>
      %add3A_746 = arith.addi %slice3A_744, %slice3A_745 : vector<256x512xi16>
      %slice3A_747 = vector.extract_strided_slice %add3A_746 {offsets = [0, 0], sizes = [128, 512], strides = [1, 1]} : vector<256x512xi16> to vector<128x512xi16>
      %slice3A_748 = vector.extract_strided_slice %add3A_746 {offsets = [128, 0], sizes = [128, 512], strides = [1, 1]} : vector<256x512xi16> to vector<128x512xi16>
      %add3A_749 = arith.addi %slice3A_747, %slice3A_748 : vector<128x512xi16>
      %slice3A_750 = vector.extract_strided_slice %add3A_749 {offsets = [0, 0], sizes = [64, 512], strides = [1, 1]} : vector<128x512xi16> to vector<64x512xi16>
      %slice3A_751 = vector.extract_strided_slice %add3A_749 {offsets = [64, 0], sizes = [64, 512], strides = [1, 1]} : vector<128x512xi16> to vector<64x512xi16>
      %add3A_752 = arith.addi %slice3A_750, %slice3A_751 : vector<64x512xi16>
      %slice3A_753 = vector.extract_strided_slice %add3A_752 {offsets = [0, 0], sizes = [32, 512], strides = [1, 1]} : vector<64x512xi16> to vector<32x512xi16>
      %slice3A_754 = vector.extract_strided_slice %add3A_752 {offsets = [32, 0], sizes = [32, 512], strides = [1, 1]} : vector<64x512xi16> to vector<32x512xi16>
      %add3A_755 = arith.addi %slice3A_753, %slice3A_754 : vector<32x512xi16>
      %slice3A_756 = vector.extract_strided_slice %add3A_755 {offsets = [0, 0], sizes = [16, 512], strides = [1, 1]} : vector<32x512xi16> to vector<16x512xi16>
      %slice3A_757 = vector.extract_strided_slice %add3A_755 {offsets = [16, 0], sizes = [16, 512], strides = [1, 1]} : vector<32x512xi16> to vector<16x512xi16>
      %add3A_758 = arith.addi %slice3A_756, %slice3A_757 : vector<16x512xi16>
      %convert_element_type3A_759 = arith.extsi %add3A_758 : vector<16x512xi16> to vector<16x512xi32>
      %reduce_sum3A_760 = arith.constant dense<0> : vector<512xi32>
      %reduce_sum3A_761 = vector.multi_reduction <add>, %convert_element_type3A_759, %reduce_sum3A_760 [0] : vector<16x512xi32> to vector<512xi32>
      %broadcast_in_dim3A_762 = vector.shape_cast %reduce_sum3A_761 : vector<512xi32> to vector<1x512xi32>
      %not3A_763 = arith.constant dense<-1> : vector<1x512xi32>
      %not3A_764 = arith.xori %or3A_731, %not3A_763 : vector<1x512xi32>
      %and3A_765 = arith.constant 65535 : i32
      %and3A_766 = vector.broadcast %and3A_765 : i32 to vector<1x512xi32>
      %and3A_767 = arith.andi %not3A_764, %and3A_766 : vector<1x512xi32>
      %sub3A_768 = arith.constant 32768 : i32
      %sub3A_769 = vector.broadcast %sub3A_768 : i32 to vector<1x512xi32>
      %sub3A_770 = arith.subi %and3A_767, %sub3A_769 : vector<1x512xi32>
      %convert_element_type3A_771 = arith.trunci %sub3A_770 : vector<1x512xi32> to vector<1x512xi16>
      %le3A_772 = vector.broadcast %convert_element_type3A_771 : vector<1x512xi16> to vector<1024x512xi16>
      %le3A_773 = arith.cmpi sle, %convert_element_type3A, %le3A_772 : vector<1024x512xi16>
      %broadcast_in_dim3A_774 = vector.broadcast %scan3A : i16 to vector<1024x512xi16>
      %broadcast_in_dim3A_775 = vector.broadcast %scan3A_17 : i16 to vector<1024x512xi16>
      %select_n3A_776 = arith.select %le3A_773, %broadcast_in_dim3A_774, %broadcast_in_dim3A_775 : vector<1024x512xi1>, vector<1024x512xi16>
      %slice3A_777 = vector.extract_strided_slice %select_n3A_776 {offsets = [0, 0], sizes = [512, 512], strides = [1, 1]} : vector<1024x512xi16> to vector<512x512xi16>
      %slice3A_778 = vector.extract_strided_slice %select_n3A_776 {offsets = [512, 0], sizes = [512, 512], strides = [1, 1]} : vector<1024x512xi16> to vector<512x512xi16>
      %add3A_779 = arith.addi %slice3A_777, %slice3A_778 : vector<512x512xi16>
      %slice3A_780 = vector.extract_strided_slice %add3A_779 {offsets = [0, 0], sizes = [256, 512], strides = [1, 1]} : vector<512x512xi16> to vector<256x512xi16>
      %slice3A_781 = vector.extract_strided_slice %add3A_779 {offsets = [256, 0], sizes = [256, 512], strides = [1, 1]} : vector<512x512xi16> to vector<256x512xi16>
      %add3A_782 = arith.addi %slice3A_780, %slice3A_781 : vector<256x512xi16>
      %slice3A_783 = vector.extract_strided_slice %add3A_782 {offsets = [0, 0], sizes = [128, 512], strides = [1, 1]} : vector<256x512xi16> to vector<128x512xi16>
      %slice3A_784 = vector.extract_strided_slice %add3A_782 {offsets = [128, 0], sizes = [128, 512], strides = [1, 1]} : vector<256x512xi16> to vector<128x512xi16>
      %add3A_785 = arith.addi %slice3A_783, %slice3A_784 : vector<128x512xi16>
      %slice3A_786 = vector.extract_strided_slice %add3A_785 {offsets = [0, 0], sizes = [64, 512], strides = [1, 1]} : vector<128x512xi16> to vector<64x512xi16>
      %slice3A_787 = vector.extract_strided_slice %add3A_785 {offsets = [64, 0], sizes = [64, 512], strides = [1, 1]} : vector<128x512xi16> to vector<64x512xi16>
      %add3A_788 = arith.addi %slice3A_786, %slice3A_787 : vector<64x512xi16>
      %slice3A_789 = vector.extract_strided_slice %add3A_788 {offsets = [0, 0], sizes = [32, 512], strides = [1, 1]} : vector<64x512xi16> to vector<32x512xi16>
      %slice3A_790 = vector.extract_strided_slice %add3A_788 {offsets = [32, 0], sizes = [32, 512], strides = [1, 1]} : vector<64x512xi16> to vector<32x512xi16>
      %add3A_791 = arith.addi %slice3A_789, %slice3A_790 : vector<32x512xi16>
      %slice3A_792 = vector.extract_strided_slice %add3A_791 {offsets = [0, 0], sizes = [16, 512], strides = [1, 1]} : vector<32x512xi16> to vector<16x512xi16>
      %slice3A_793 = vector.extract_strided_slice %add3A_791 {offsets = [16, 0], sizes = [16, 512], strides = [1, 1]} : vector<32x512xi16> to vector<16x512xi16>
      %add3A_794 = arith.addi %slice3A_792, %slice3A_793 : vector<16x512xi16>
      %convert_element_type3A_795 = arith.extsi %add3A_794 : vector<16x512xi16> to vector<16x512xi32>
      %reduce_sum3A_796 = arith.constant dense<0> : vector<512xi32>
      %reduce_sum3A_797 = vector.multi_reduction <add>, %convert_element_type3A_795, %reduce_sum3A_796 [0] : vector<16x512xi32> to vector<512xi32>
      %broadcast_in_dim3A_798 = vector.shape_cast %reduce_sum3A_797 : vector<512xi32> to vector<1x512xi32>
      %ge3A_799 = arith.constant 205 : i32
      %ge3A_800 = vector.broadcast %ge3A_799 : i32 to vector<1x512xi32>
      %ge3A_801 = arith.cmpi sge, %broadcast_in_dim3A_762, %ge3A_800 : vector<1x512xi32>
      %select_n3A_802 = arith.select %ge3A_801, %or3A_730, %select_n3A_720 : vector<1x512xi1>, vector<1x512xi32>
      %ge3A_803 = arith.constant 205 : i32
      %ge3A_804 = vector.broadcast %ge3A_803 : i32 to vector<1x512xi32>
      %ge3A_805 = arith.cmpi sge, %broadcast_in_dim3A_798, %ge3A_804 : vector<1x512xi32>
      %select_n3A_806 = arith.select %ge3A_805, %or3A_731, %select_n3A_724 : vector<1x512xi1>, vector<1x512xi32>
      %shift_right_logical3A_807 = arith.constant 1 : i32
      %shift_right_logical3A_808 = vector.broadcast %shift_right_logical3A_807 : i32 to vector<1x512xi32>
      %shift_right_logical3A_809 = arith.shrui %shift_right_logical3A_727, %shift_right_logical3A_808 : vector<1x512xi32>
      %scan3A_810 = arith.constant 2 : i32
      %scan3A_811 = arith.addi %scan3A_644, %scan3A_810 : i32
      %or3A_812 = arith.ori %select_n3A_802, %shift_right_logical3A_809 : vector<1x512xi32>
      %or3A_813 = arith.ori %select_n3A_806, %shift_right_logical3A_809 : vector<1x512xi32>
      %sub3A_814 = arith.constant 32768 : i32
      %sub3A_815 = vector.broadcast %sub3A_814 : i32 to vector<1x512xi32>
      %sub3A_816 = arith.subi %or3A_812, %sub3A_815 : vector<1x512xi32>
      %convert_element_type3A_817 = arith.trunci %sub3A_816 : vector<1x512xi32> to vector<1x512xi16>
      %ge3A_818 = vector.broadcast %convert_element_type3A_817 : vector<1x512xi16> to vector<1024x512xi16>
      %ge3A_819 = arith.cmpi sge, %convert_element_type3A, %ge3A_818 : vector<1024x512xi16>
      %broadcast_in_dim3A_820 = vector.broadcast %scan3A : i16 to vector<1024x512xi16>
      %broadcast_in_dim3A_821 = vector.broadcast %scan3A_17 : i16 to vector<1024x512xi16>
      %select_n3A_822 = arith.select %ge3A_819, %broadcast_in_dim3A_820, %broadcast_in_dim3A_821 : vector<1024x512xi1>, vector<1024x512xi16>
      %slice3A_823 = vector.extract_strided_slice %select_n3A_822 {offsets = [0, 0], sizes = [512, 512], strides = [1, 1]} : vector<1024x512xi16> to vector<512x512xi16>
      %slice3A_824 = vector.extract_strided_slice %select_n3A_822 {offsets = [512, 0], sizes = [512, 512], strides = [1, 1]} : vector<1024x512xi16> to vector<512x512xi16>
      %add3A_825 = arith.addi %slice3A_823, %slice3A_824 : vector<512x512xi16>
      %slice3A_826 = vector.extract_strided_slice %add3A_825 {offsets = [0, 0], sizes = [256, 512], strides = [1, 1]} : vector<512x512xi16> to vector<256x512xi16>
      %slice3A_827 = vector.extract_strided_slice %add3A_825 {offsets = [256, 0], sizes = [256, 512], strides = [1, 1]} : vector<512x512xi16> to vector<256x512xi16>
      %add3A_828 = arith.addi %slice3A_826, %slice3A_827 : vector<256x512xi16>
      %slice3A_829 = vector.extract_strided_slice %add3A_828 {offsets = [0, 0], sizes = [128, 512], strides = [1, 1]} : vector<256x512xi16> to vector<128x512xi16>
      %slice3A_830 = vector.extract_strided_slice %add3A_828 {offsets = [128, 0], sizes = [128, 512], strides = [1, 1]} : vector<256x512xi16> to vector<128x512xi16>
      %add3A_831 = arith.addi %slice3A_829, %slice3A_830 : vector<128x512xi16>
      %slice3A_832 = vector.extract_strided_slice %add3A_831 {offsets = [0, 0], sizes = [64, 512], strides = [1, 1]} : vector<128x512xi16> to vector<64x512xi16>
      %slice3A_833 = vector.extract_strided_slice %add3A_831 {offsets = [64, 0], sizes = [64, 512], strides = [1, 1]} : vector<128x512xi16> to vector<64x512xi16>
      %add3A_834 = arith.addi %slice3A_832, %slice3A_833 : vector<64x512xi16>
      %slice3A_835 = vector.extract_strided_slice %add3A_834 {offsets = [0, 0], sizes = [32, 512], strides = [1, 1]} : vector<64x512xi16> to vector<32x512xi16>
      %slice3A_836 = vector.extract_strided_slice %add3A_834 {offsets = [32, 0], sizes = [32, 512], strides = [1, 1]} : vector<64x512xi16> to vector<32x512xi16>
      %add3A_837 = arith.addi %slice3A_835, %slice3A_836 : vector<32x512xi16>
      %slice3A_838 = vector.extract_strided_slice %add3A_837 {offsets = [0, 0], sizes = [16, 512], strides = [1, 1]} : vector<32x512xi16> to vector<16x512xi16>
      %slice3A_839 = vector.extract_strided_slice %add3A_837 {offsets = [16, 0], sizes = [16, 512], strides = [1, 1]} : vector<32x512xi16> to vector<16x512xi16>
      %add3A_840 = arith.addi %slice3A_838, %slice3A_839 : vector<16x512xi16>
      %convert_element_type3A_841 = arith.extsi %add3A_840 : vector<16x512xi16> to vector<16x512xi32>
      %reduce_sum3A_842 = arith.constant dense<0> : vector<512xi32>
      %reduce_sum3A_843 = vector.multi_reduction <add>, %convert_element_type3A_841, %reduce_sum3A_842 [0] : vector<16x512xi32> to vector<512xi32>
      %broadcast_in_dim3A_844 = vector.shape_cast %reduce_sum3A_843 : vector<512xi32> to vector<1x512xi32>
      %not3A_845 = arith.constant dense<-1> : vector<1x512xi32>
      %not3A_846 = arith.xori %or3A_813, %not3A_845 : vector<1x512xi32>
      %and3A_847 = arith.constant 65535 : i32
      %and3A_848 = vector.broadcast %and3A_847 : i32 to vector<1x512xi32>
      %and3A_849 = arith.andi %not3A_846, %and3A_848 : vector<1x512xi32>
      %sub3A_850 = arith.constant 32768 : i32
      %sub3A_851 = vector.broadcast %sub3A_850 : i32 to vector<1x512xi32>
      %sub3A_852 = arith.subi %and3A_849, %sub3A_851 : vector<1x512xi32>
      %convert_element_type3A_853 = arith.trunci %sub3A_852 : vector<1x512xi32> to vector<1x512xi16>
      %le3A_854 = vector.broadcast %convert_element_type3A_853 : vector<1x512xi16> to vector<1024x512xi16>
      %le3A_855 = arith.cmpi sle, %convert_element_type3A, %le3A_854 : vector<1024x512xi16>
      %broadcast_in_dim3A_856 = vector.broadcast %scan3A : i16 to vector<1024x512xi16>
      %broadcast_in_dim3A_857 = vector.broadcast %scan3A_17 : i16 to vector<1024x512xi16>
      %select_n3A_858 = arith.select %le3A_855, %broadcast_in_dim3A_856, %broadcast_in_dim3A_857 : vector<1024x512xi1>, vector<1024x512xi16>
      %slice3A_859 = vector.extract_strided_slice %select_n3A_858 {offsets = [0, 0], sizes = [512, 512], strides = [1, 1]} : vector<1024x512xi16> to vector<512x512xi16>
      %slice3A_860 = vector.extract_strided_slice %select_n3A_858 {offsets = [512, 0], sizes = [512, 512], strides = [1, 1]} : vector<1024x512xi16> to vector<512x512xi16>
      %add3A_861 = arith.addi %slice3A_859, %slice3A_860 : vector<512x512xi16>
      %slice3A_862 = vector.extract_strided_slice %add3A_861 {offsets = [0, 0], sizes = [256, 512], strides = [1, 1]} : vector<512x512xi16> to vector<256x512xi16>
      %slice3A_863 = vector.extract_strided_slice %add3A_861 {offsets = [256, 0], sizes = [256, 512], strides = [1, 1]} : vector<512x512xi16> to vector<256x512xi16>
      %add3A_864 = arith.addi %slice3A_862, %slice3A_863 : vector<256x512xi16>
      %slice3A_865 = vector.extract_strided_slice %add3A_864 {offsets = [0, 0], sizes = [128, 512], strides = [1, 1]} : vector<256x512xi16> to vector<128x512xi16>
      %slice3A_866 = vector.extract_strided_slice %add3A_864 {offsets = [128, 0], sizes = [128, 512], strides = [1, 1]} : vector<256x512xi16> to vector<128x512xi16>
      %add3A_867 = arith.addi %slice3A_865, %slice3A_866 : vector<128x512xi16>
      %slice3A_868 = vector.extract_strided_slice %add3A_867 {offsets = [0, 0], sizes = [64, 512], strides = [1, 1]} : vector<128x512xi16> to vector<64x512xi16>
      %slice3A_869 = vector.extract_strided_slice %add3A_867 {offsets = [64, 0], sizes = [64, 512], strides = [1, 1]} : vector<128x512xi16> to vector<64x512xi16>
      %add3A_870 = arith.addi %slice3A_868, %slice3A_869 : vector<64x512xi16>
      %slice3A_871 = vector.extract_strided_slice %add3A_870 {offsets = [0, 0], sizes = [32, 512], strides = [1, 1]} : vector<64x512xi16> to vector<32x512xi16>
      %slice3A_872 = vector.extract_strided_slice %add3A_870 {offsets = [32, 0], sizes = [32, 512], strides = [1, 1]} : vector<64x512xi16> to vector<32x512xi16>
      %add3A_873 = arith.addi %slice3A_871, %slice3A_872 : vector<32x512xi16>
      %slice3A_874 = vector.extract_strided_slice %add3A_873 {offsets = [0, 0], sizes = [16, 512], strides = [1, 1]} : vector<32x512xi16> to vector<16x512xi16>
      %slice3A_875 = vector.extract_strided_slice %add3A_873 {offsets = [16, 0], sizes = [16, 512], strides = [1, 1]} : vector<32x512xi16> to vector<16x512xi16>
      %add3A_876 = arith.addi %slice3A_874, %slice3A_875 : vector<16x512xi16>
      %convert_element_type3A_877 = arith.extsi %add3A_876 : vector<16x512xi16> to vector<16x512xi32>
      %reduce_sum3A_878 = arith.constant dense<0> : vector<512xi32>
      %reduce_sum3A_879 = vector.multi_reduction <add>, %convert_element_type3A_877, %reduce_sum3A_878 [0] : vector<16x512xi32> to vector<512xi32>
      %broadcast_in_dim3A_880 = vector.shape_cast %reduce_sum3A_879 : vector<512xi32> to vector<1x512xi32>
      %ge3A_881 = arith.constant 205 : i32
      %ge3A_882 = vector.broadcast %ge3A_881 : i32 to vector<1x512xi32>
      %ge3A_883 = arith.cmpi sge, %broadcast_in_dim3A_844, %ge3A_882 : vector<1x512xi32>
      %select_n3A_884 = arith.select %ge3A_883, %or3A_812, %select_n3A_802 : vector<1x512xi1>, vector<1x512xi32>
      %ge3A_885 = arith.constant 205 : i32
      %ge3A_886 = vector.broadcast %ge3A_885 : i32 to vector<1x512xi32>
      %ge3A_887 = arith.cmpi sge, %broadcast_in_dim3A_880, %ge3A_886 : vector<1x512xi32>
      %select_n3A_888 = arith.select %ge3A_887, %or3A_813, %select_n3A_806 : vector<1x512xi1>, vector<1x512xi32>
      %shift_right_logical3A_889 = arith.constant 1 : i32
      %shift_right_logical3A_890 = vector.broadcast %shift_right_logical3A_889 : i32 to vector<1x512xi32>
      %shift_right_logical3A_891 = arith.shrui %shift_right_logical3A_809, %shift_right_logical3A_890 : vector<1x512xi32>
      %scan3A_892 = arith.constant 3 : i32
      %scan3A_893 = arith.addi %scan3A_644, %scan3A_892 : i32
      %or3A_894 = arith.ori %select_n3A_884, %shift_right_logical3A_891 : vector<1x512xi32>
      %or3A_895 = arith.ori %select_n3A_888, %shift_right_logical3A_891 : vector<1x512xi32>
      %sub3A_896 = arith.constant 32768 : i32
      %sub3A_897 = vector.broadcast %sub3A_896 : i32 to vector<1x512xi32>
      %sub3A_898 = arith.subi %or3A_894, %sub3A_897 : vector<1x512xi32>
      %convert_element_type3A_899 = arith.trunci %sub3A_898 : vector<1x512xi32> to vector<1x512xi16>
      %ge3A_900 = vector.broadcast %convert_element_type3A_899 : vector<1x512xi16> to vector<1024x512xi16>
      %ge3A_901 = arith.cmpi sge, %convert_element_type3A, %ge3A_900 : vector<1024x512xi16>
      %broadcast_in_dim3A_902 = vector.broadcast %scan3A : i16 to vector<1024x512xi16>
      %broadcast_in_dim3A_903 = vector.broadcast %scan3A_17 : i16 to vector<1024x512xi16>
      %select_n3A_904 = arith.select %ge3A_901, %broadcast_in_dim3A_902, %broadcast_in_dim3A_903 : vector<1024x512xi1>, vector<1024x512xi16>
      %slice3A_905 = vector.extract_strided_slice %select_n3A_904 {offsets = [0, 0], sizes = [512, 512], strides = [1, 1]} : vector<1024x512xi16> to vector<512x512xi16>
      %slice3A_906 = vector.extract_strided_slice %select_n3A_904 {offsets = [512, 0], sizes = [512, 512], strides = [1, 1]} : vector<1024x512xi16> to vector<512x512xi16>
      %add3A_907 = arith.addi %slice3A_905, %slice3A_906 : vector<512x512xi16>
      %slice3A_908 = vector.extract_strided_slice %add3A_907 {offsets = [0, 0], sizes = [256, 512], strides = [1, 1]} : vector<512x512xi16> to vector<256x512xi16>
      %slice3A_909 = vector.extract_strided_slice %add3A_907 {offsets = [256, 0], sizes = [256, 512], strides = [1, 1]} : vector<512x512xi16> to vector<256x512xi16>
      %add3A_910 = arith.addi %slice3A_908, %slice3A_909 : vector<256x512xi16>
      %slice3A_911 = vector.extract_strided_slice %add3A_910 {offsets = [0, 0], sizes = [128, 512], strides = [1, 1]} : vector<256x512xi16> to vector<128x512xi16>
      %slice3A_912 = vector.extract_strided_slice %add3A_910 {offsets = [128, 0], sizes = [128, 512], strides = [1, 1]} : vector<256x512xi16> to vector<128x512xi16>
      %add3A_913 = arith.addi %slice3A_911, %slice3A_912 : vector<128x512xi16>
      %slice3A_914 = vector.extract_strided_slice %add3A_913 {offsets = [0, 0], sizes = [64, 512], strides = [1, 1]} : vector<128x512xi16> to vector<64x512xi16>
      %slice3A_915 = vector.extract_strided_slice %add3A_913 {offsets = [64, 0], sizes = [64, 512], strides = [1, 1]} : vector<128x512xi16> to vector<64x512xi16>
      %add3A_916 = arith.addi %slice3A_914, %slice3A_915 : vector<64x512xi16>
      %slice3A_917 = vector.extract_strided_slice %add3A_916 {offsets = [0, 0], sizes = [32, 512], strides = [1, 1]} : vector<64x512xi16> to vector<32x512xi16>
      %slice3A_918 = vector.extract_strided_slice %add3A_916 {offsets = [32, 0], sizes = [32, 512], strides = [1, 1]} : vector<64x512xi16> to vector<32x512xi16>
      %add3A_919 = arith.addi %slice3A_917, %slice3A_918 : vector<32x512xi16>
      %slice3A_920 = vector.extract_strided_slice %add3A_919 {offsets = [0, 0], sizes = [16, 512], strides = [1, 1]} : vector<32x512xi16> to vector<16x512xi16>
      %slice3A_921 = vector.extract_strided_slice %add3A_919 {offsets = [16, 0], sizes = [16, 512], strides = [1, 1]} : vector<32x512xi16> to vector<16x512xi16>
      %add3A_922 = arith.addi %slice3A_920, %slice3A_921 : vector<16x512xi16>
      %convert_element_type3A_923 = arith.extsi %add3A_922 : vector<16x512xi16> to vector<16x512xi32>
      %reduce_sum3A_924 = arith.constant dense<0> : vector<512xi32>
      %reduce_sum3A_925 = vector.multi_reduction <add>, %convert_element_type3A_923, %reduce_sum3A_924 [0] : vector<16x512xi32> to vector<512xi32>
      %broadcast_in_dim3A_926 = vector.shape_cast %reduce_sum3A_925 : vector<512xi32> to vector<1x512xi32>
      %not3A_927 = arith.constant dense<-1> : vector<1x512xi32>
      %not3A_928 = arith.xori %or3A_895, %not3A_927 : vector<1x512xi32>
      %and3A_929 = arith.constant 65535 : i32
      %and3A_930 = vector.broadcast %and3A_929 : i32 to vector<1x512xi32>
      %and3A_931 = arith.andi %not3A_928, %and3A_930 : vector<1x512xi32>
      %sub3A_932 = arith.constant 32768 : i32
      %sub3A_933 = vector.broadcast %sub3A_932 : i32 to vector<1x512xi32>
      %sub3A_934 = arith.subi %and3A_931, %sub3A_933 : vector<1x512xi32>
      %convert_element_type3A_935 = arith.trunci %sub3A_934 : vector<1x512xi32> to vector<1x512xi16>
      %le3A_936 = vector.broadcast %convert_element_type3A_935 : vector<1x512xi16> to vector<1024x512xi16>
      %le3A_937 = arith.cmpi sle, %convert_element_type3A, %le3A_936 : vector<1024x512xi16>
      %broadcast_in_dim3A_938 = vector.broadcast %scan3A : i16 to vector<1024x512xi16>
      %broadcast_in_dim3A_939 = vector.broadcast %scan3A_17 : i16 to vector<1024x512xi16>
      %select_n3A_940 = arith.select %le3A_937, %broadcast_in_dim3A_938, %broadcast_in_dim3A_939 : vector<1024x512xi1>, vector<1024x512xi16>
      %slice3A_941 = vector.extract_strided_slice %select_n3A_940 {offsets = [0, 0], sizes = [512, 512], strides = [1, 1]} : vector<1024x512xi16> to vector<512x512xi16>
      %slice3A_942 = vector.extract_strided_slice %select_n3A_940 {offsets = [512, 0], sizes = [512, 512], strides = [1, 1]} : vector<1024x512xi16> to vector<512x512xi16>
      %add3A_943 = arith.addi %slice3A_941, %slice3A_942 : vector<512x512xi16>
      %slice3A_944 = vector.extract_strided_slice %add3A_943 {offsets = [0, 0], sizes = [256, 512], strides = [1, 1]} : vector<512x512xi16> to vector<256x512xi16>
      %slice3A_945 = vector.extract_strided_slice %add3A_943 {offsets = [256, 0], sizes = [256, 512], strides = [1, 1]} : vector<512x512xi16> to vector<256x512xi16>
      %add3A_946 = arith.addi %slice3A_944, %slice3A_945 : vector<256x512xi16>
      %slice3A_947 = vector.extract_strided_slice %add3A_946 {offsets = [0, 0], sizes = [128, 512], strides = [1, 1]} : vector<256x512xi16> to vector<128x512xi16>
      %slice3A_948 = vector.extract_strided_slice %add3A_946 {offsets = [128, 0], sizes = [128, 512], strides = [1, 1]} : vector<256x512xi16> to vector<128x512xi16>
      %add3A_949 = arith.addi %slice3A_947, %slice3A_948 : vector<128x512xi16>
      %slice3A_950 = vector.extract_strided_slice %add3A_949 {offsets = [0, 0], sizes = [64, 512], strides = [1, 1]} : vector<128x512xi16> to vector<64x512xi16>
      %slice3A_951 = vector.extract_strided_slice %add3A_949 {offsets = [64, 0], sizes = [64, 512], strides = [1, 1]} : vector<128x512xi16> to vector<64x512xi16>
      %add3A_952 = arith.addi %slice3A_950, %slice3A_951 : vector<64x512xi16>
      %slice3A_953 = vector.extract_strided_slice %add3A_952 {offsets = [0, 0], sizes = [32, 512], strides = [1, 1]} : vector<64x512xi16> to vector<32x512xi16>
      %slice3A_954 = vector.extract_strided_slice %add3A_952 {offsets = [32, 0], sizes = [32, 512], strides = [1, 1]} : vector<64x512xi16> to vector<32x512xi16>
      %add3A_955 = arith.addi %slice3A_953, %slice3A_954 : vector<32x512xi16>
      %slice3A_956 = vector.extract_strided_slice %add3A_955 {offsets = [0, 0], sizes = [16, 512], strides = [1, 1]} : vector<32x512xi16> to vector<16x512xi16>
      %slice3A_957 = vector.extract_strided_slice %add3A_955 {offsets = [16, 0], sizes = [16, 512], strides = [1, 1]} : vector<32x512xi16> to vector<16x512xi16>
      %add3A_958 = arith.addi %slice3A_956, %slice3A_957 : vector<16x512xi16>
      %convert_element_type3A_959 = arith.extsi %add3A_958 : vector<16x512xi16> to vector<16x512xi32>
      %reduce_sum3A_960 = arith.constant dense<0> : vector<512xi32>
      %reduce_sum3A_961 = vector.multi_reduction <add>, %convert_element_type3A_959, %reduce_sum3A_960 [0] : vector<16x512xi32> to vector<512xi32>
      %broadcast_in_dim3A_962 = vector.shape_cast %reduce_sum3A_961 : vector<512xi32> to vector<1x512xi32>
      %ge3A_963 = arith.constant 205 : i32
      %ge3A_964 = vector.broadcast %ge3A_963 : i32 to vector<1x512xi32>
      %ge3A_965 = arith.cmpi sge, %broadcast_in_dim3A_926, %ge3A_964 : vector<1x512xi32>
      %select_n3A_966 = arith.select %ge3A_965, %or3A_894, %select_n3A_884 : vector<1x512xi1>, vector<1x512xi32>
      %ge3A_967 = arith.constant 205 : i32
      %ge3A_968 = vector.broadcast %ge3A_967 : i32 to vector<1x512xi32>
      %ge3A_969 = arith.cmpi sge, %broadcast_in_dim3A_962, %ge3A_968 : vector<1x512xi32>
      %select_n3A_970 = arith.select %ge3A_969, %or3A_895, %select_n3A_888 : vector<1x512xi1>, vector<1x512xi32>
      %shift_right_logical3A_971 = arith.constant 1 : i32
      %shift_right_logical3A_972 = vector.broadcast %shift_right_logical3A_971 : i32 to vector<1x512xi32>
      %shift_right_logical3A_973 = arith.shrui %shift_right_logical3A_891, %shift_right_logical3A_972 : vector<1x512xi32>
      %scan3A_974 = arith.constant 4 : i32
      %scan3A_975 = arith.addi %scan3A_644, %scan3A_974 : i32
      %or3A_976 = arith.ori %select_n3A_966, %shift_right_logical3A_973 : vector<1x512xi32>
      %or3A_977 = arith.ori %select_n3A_970, %shift_right_logical3A_973 : vector<1x512xi32>
      %sub3A_978 = arith.constant 32768 : i32
      %sub3A_979 = vector.broadcast %sub3A_978 : i32 to vector<1x512xi32>
      %sub3A_980 = arith.subi %or3A_976, %sub3A_979 : vector<1x512xi32>
      %convert_element_type3A_981 = arith.trunci %sub3A_980 : vector<1x512xi32> to vector<1x512xi16>
      %ge3A_982 = vector.broadcast %convert_element_type3A_981 : vector<1x512xi16> to vector<1024x512xi16>
      %ge3A_983 = arith.cmpi sge, %convert_element_type3A, %ge3A_982 : vector<1024x512xi16>
      %broadcast_in_dim3A_984 = vector.broadcast %scan3A : i16 to vector<1024x512xi16>
      %broadcast_in_dim3A_985 = vector.broadcast %scan3A_17 : i16 to vector<1024x512xi16>
      %select_n3A_986 = arith.select %ge3A_983, %broadcast_in_dim3A_984, %broadcast_in_dim3A_985 : vector<1024x512xi1>, vector<1024x512xi16>
      %slice3A_987 = vector.extract_strided_slice %select_n3A_986 {offsets = [0, 0], sizes = [512, 512], strides = [1, 1]} : vector<1024x512xi16> to vector<512x512xi16>
      %slice3A_988 = vector.extract_strided_slice %select_n3A_986 {offsets = [512, 0], sizes = [512, 512], strides = [1, 1]} : vector<1024x512xi16> to vector<512x512xi16>
      %add3A_989 = arith.addi %slice3A_987, %slice3A_988 : vector<512x512xi16>
      %slice3A_990 = vector.extract_strided_slice %add3A_989 {offsets = [0, 0], sizes = [256, 512], strides = [1, 1]} : vector<512x512xi16> to vector<256x512xi16>
      %slice3A_991 = vector.extract_strided_slice %add3A_989 {offsets = [256, 0], sizes = [256, 512], strides = [1, 1]} : vector<512x512xi16> to vector<256x512xi16>
      %add3A_992 = arith.addi %slice3A_990, %slice3A_991 : vector<256x512xi16>
      %slice3A_993 = vector.extract_strided_slice %add3A_992 {offsets = [0, 0], sizes = [128, 512], strides = [1, 1]} : vector<256x512xi16> to vector<128x512xi16>
      %slice3A_994 = vector.extract_strided_slice %add3A_992 {offsets = [128, 0], sizes = [128, 512], strides = [1, 1]} : vector<256x512xi16> to vector<128x512xi16>
      %add3A_995 = arith.addi %slice3A_993, %slice3A_994 : vector<128x512xi16>
      %slice3A_996 = vector.extract_strided_slice %add3A_995 {offsets = [0, 0], sizes = [64, 512], strides = [1, 1]} : vector<128x512xi16> to vector<64x512xi16>
      %slice3A_997 = vector.extract_strided_slice %add3A_995 {offsets = [64, 0], sizes = [64, 512], strides = [1, 1]} : vector<128x512xi16> to vector<64x512xi16>
      %add3A_998 = arith.addi %slice3A_996, %slice3A_997 : vector<64x512xi16>
      %slice3A_999 = vector.extract_strided_slice %add3A_998 {offsets = [0, 0], sizes = [32, 512], strides = [1, 1]} : vector<64x512xi16> to vector<32x512xi16>
      %slice3A_1000 = vector.extract_strided_slice %add3A_998 {offsets = [32, 0], sizes = [32, 512], strides = [1, 1]} : vector<64x512xi16> to vector<32x512xi16>
      %add3A_1001 = arith.addi %slice3A_999, %slice3A_1000 : vector<32x512xi16>
      %slice3A_1002 = vector.extract_strided_slice %add3A_1001 {offsets = [0, 0], sizes = [16, 512], strides = [1, 1]} : vector<32x512xi16> to vector<16x512xi16>
      %slice3A_1003 = vector.extract_strided_slice %add3A_1001 {offsets = [16, 0], sizes = [16, 512], strides = [1, 1]} : vector<32x512xi16> to vector<16x512xi16>
      %add3A_1004 = arith.addi %slice3A_1002, %slice3A_1003 : vector<16x512xi16>
      %convert_element_type3A_1005 = arith.extsi %add3A_1004 : vector<16x512xi16> to vector<16x512xi32>
      %reduce_sum3A_1006 = arith.constant dense<0> : vector<512xi32>
      %reduce_sum3A_1007 = vector.multi_reduction <add>, %convert_element_type3A_1005, %reduce_sum3A_1006 [0] : vector<16x512xi32> to vector<512xi32>
      %broadcast_in_dim3A_1008 = vector.shape_cast %reduce_sum3A_1007 : vector<512xi32> to vector<1x512xi32>
      %not3A_1009 = arith.constant dense<-1> : vector<1x512xi32>
      %not3A_1010 = arith.xori %or3A_977, %not3A_1009 : vector<1x512xi32>
      %and3A_1011 = arith.constant 65535 : i32
      %and3A_1012 = vector.broadcast %and3A_1011 : i32 to vector<1x512xi32>
      %and3A_1013 = arith.andi %not3A_1010, %and3A_1012 : vector<1x512xi32>
      %sub3A_1014 = arith.constant 32768 : i32
      %sub3A_1015 = vector.broadcast %sub3A_1014 : i32 to vector<1x512xi32>
      %sub3A_1016 = arith.subi %and3A_1013, %sub3A_1015 : vector<1x512xi32>
      %convert_element_type3A_1017 = arith.trunci %sub3A_1016 : vector<1x512xi32> to vector<1x512xi16>
      %le3A_1018 = vector.broadcast %convert_element_type3A_1017 : vector<1x512xi16> to vector<1024x512xi16>
      %le3A_1019 = arith.cmpi sle, %convert_element_type3A, %le3A_1018 : vector<1024x512xi16>
      %broadcast_in_dim3A_1020 = vector.broadcast %scan3A : i16 to vector<1024x512xi16>
      %broadcast_in_dim3A_1021 = vector.broadcast %scan3A_17 : i16 to vector<1024x512xi16>
      %select_n3A_1022 = arith.select %le3A_1019, %broadcast_in_dim3A_1020, %broadcast_in_dim3A_1021 : vector<1024x512xi1>, vector<1024x512xi16>
      %slice3A_1023 = vector.extract_strided_slice %select_n3A_1022 {offsets = [0, 0], sizes = [512, 512], strides = [1, 1]} : vector<1024x512xi16> to vector<512x512xi16>
      %slice3A_1024 = vector.extract_strided_slice %select_n3A_1022 {offsets = [512, 0], sizes = [512, 512], strides = [1, 1]} : vector<1024x512xi16> to vector<512x512xi16>
      %add3A_1025 = arith.addi %slice3A_1023, %slice3A_1024 : vector<512x512xi16>
      %slice3A_1026 = vector.extract_strided_slice %add3A_1025 {offsets = [0, 0], sizes = [256, 512], strides = [1, 1]} : vector<512x512xi16> to vector<256x512xi16>
      %slice3A_1027 = vector.extract_strided_slice %add3A_1025 {offsets = [256, 0], sizes = [256, 512], strides = [1, 1]} : vector<512x512xi16> to vector<256x512xi16>
      %add3A_1028 = arith.addi %slice3A_1026, %slice3A_1027 : vector<256x512xi16>
      %slice3A_1029 = vector.extract_strided_slice %add3A_1028 {offsets = [0, 0], sizes = [128, 512], strides = [1, 1]} : vector<256x512xi16> to vector<128x512xi16>
      %slice3A_1030 = vector.extract_strided_slice %add3A_1028 {offsets = [128, 0], sizes = [128, 512], strides = [1, 1]} : vector<256x512xi16> to vector<128x512xi16>
      %add3A_1031 = arith.addi %slice3A_1029, %slice3A_1030 : vector<128x512xi16>
      %slice3A_1032 = vector.extract_strided_slice %add3A_1031 {offsets = [0, 0], sizes = [64, 512], strides = [1, 1]} : vector<128x512xi16> to vector<64x512xi16>
      %slice3A_1033 = vector.extract_strided_slice %add3A_1031 {offsets = [64, 0], sizes = [64, 512], strides = [1, 1]} : vector<128x512xi16> to vector<64x512xi16>
      %add3A_1034 = arith.addi %slice3A_1032, %slice3A_1033 : vector<64x512xi16>
      %slice3A_1035 = vector.extract_strided_slice %add3A_1034 {offsets = [0, 0], sizes = [32, 512], strides = [1, 1]} : vector<64x512xi16> to vector<32x512xi16>
      %slice3A_1036 = vector.extract_strided_slice %add3A_1034 {offsets = [32, 0], sizes = [32, 512], strides = [1, 1]} : vector<64x512xi16> to vector<32x512xi16>
      %add3A_1037 = arith.addi %slice3A_1035, %slice3A_1036 : vector<32x512xi16>
      %slice3A_1038 = vector.extract_strided_slice %add3A_1037 {offsets = [0, 0], sizes = [16, 512], strides = [1, 1]} : vector<32x512xi16> to vector<16x512xi16>
      %slice3A_1039 = vector.extract_strided_slice %add3A_1037 {offsets = [16, 0], sizes = [16, 512], strides = [1, 1]} : vector<32x512xi16> to vector<16x512xi16>
      %add3A_1040 = arith.addi %slice3A_1038, %slice3A_1039 : vector<16x512xi16>
      %convert_element_type3A_1041 = arith.extsi %add3A_1040 : vector<16x512xi16> to vector<16x512xi32>
      %reduce_sum3A_1042 = arith.constant dense<0> : vector<512xi32>
      %reduce_sum3A_1043 = vector.multi_reduction <add>, %convert_element_type3A_1041, %reduce_sum3A_1042 [0] : vector<16x512xi32> to vector<512xi32>
      %broadcast_in_dim3A_1044 = vector.shape_cast %reduce_sum3A_1043 : vector<512xi32> to vector<1x512xi32>
      %ge3A_1045 = arith.constant 205 : i32
      %ge3A_1046 = vector.broadcast %ge3A_1045 : i32 to vector<1x512xi32>
      %ge3A_1047 = arith.cmpi sge, %broadcast_in_dim3A_1008, %ge3A_1046 : vector<1x512xi32>
      %select_n3A_1048 = arith.select %ge3A_1047, %or3A_976, %select_n3A_966 : vector<1x512xi1>, vector<1x512xi32>
      %ge3A_1049 = arith.constant 205 : i32
      %ge3A_1050 = vector.broadcast %ge3A_1049 : i32 to vector<1x512xi32>
      %ge3A_1051 = arith.cmpi sge, %broadcast_in_dim3A_1044, %ge3A_1050 : vector<1x512xi32>
      %select_n3A_1052 = arith.select %ge3A_1051, %or3A_977, %select_n3A_970 : vector<1x512xi1>, vector<1x512xi32>
      %shift_right_logical3A_1053 = arith.constant 1 : i32
      %shift_right_logical3A_1054 = vector.broadcast %shift_right_logical3A_1053 : i32 to vector<1x512xi32>
      %shift_right_logical3A_1055 = arith.shrui %shift_right_logical3A_973, %shift_right_logical3A_1054 : vector<1x512xi32>
      %scan3A_1056 = arith.constant 5 : i32
      %scan3A_1057 = arith.addi %scan3A_644, %scan3A_1056 : i32
      %or3A_1058 = arith.ori %select_n3A_1048, %shift_right_logical3A_1055 : vector<1x512xi32>
      %or3A_1059 = arith.ori %select_n3A_1052, %shift_right_logical3A_1055 : vector<1x512xi32>
      %sub3A_1060 = arith.constant 32768 : i32
      %sub3A_1061 = vector.broadcast %sub3A_1060 : i32 to vector<1x512xi32>
      %sub3A_1062 = arith.subi %or3A_1058, %sub3A_1061 : vector<1x512xi32>
      %convert_element_type3A_1063 = arith.trunci %sub3A_1062 : vector<1x512xi32> to vector<1x512xi16>
      %ge3A_1064 = vector.broadcast %convert_element_type3A_1063 : vector<1x512xi16> to vector<1024x512xi16>
      %ge3A_1065 = arith.cmpi sge, %convert_element_type3A, %ge3A_1064 : vector<1024x512xi16>
      %broadcast_in_dim3A_1066 = vector.broadcast %scan3A : i16 to vector<1024x512xi16>
      %broadcast_in_dim3A_1067 = vector.broadcast %scan3A_17 : i16 to vector<1024x512xi16>
      %select_n3A_1068 = arith.select %ge3A_1065, %broadcast_in_dim3A_1066, %broadcast_in_dim3A_1067 : vector<1024x512xi1>, vector<1024x512xi16>
      %slice3A_1069 = vector.extract_strided_slice %select_n3A_1068 {offsets = [0, 0], sizes = [512, 512], strides = [1, 1]} : vector<1024x512xi16> to vector<512x512xi16>
      %slice3A_1070 = vector.extract_strided_slice %select_n3A_1068 {offsets = [512, 0], sizes = [512, 512], strides = [1, 1]} : vector<1024x512xi16> to vector<512x512xi16>
      %add3A_1071 = arith.addi %slice3A_1069, %slice3A_1070 : vector<512x512xi16>
      %slice3A_1072 = vector.extract_strided_slice %add3A_1071 {offsets = [0, 0], sizes = [256, 512], strides = [1, 1]} : vector<512x512xi16> to vector<256x512xi16>
      %slice3A_1073 = vector.extract_strided_slice %add3A_1071 {offsets = [256, 0], sizes = [256, 512], strides = [1, 1]} : vector<512x512xi16> to vector<256x512xi16>
      %add3A_1074 = arith.addi %slice3A_1072, %slice3A_1073 : vector<256x512xi16>
      %slice3A_1075 = vector.extract_strided_slice %add3A_1074 {offsets = [0, 0], sizes = [128, 512], strides = [1, 1]} : vector<256x512xi16> to vector<128x512xi16>
      %slice3A_1076 = vector.extract_strided_slice %add3A_1074 {offsets = [128, 0], sizes = [128, 512], strides = [1, 1]} : vector<256x512xi16> to vector<128x512xi16>
      %add3A_1077 = arith.addi %slice3A_1075, %slice3A_1076 : vector<128x512xi16>
      %slice3A_1078 = vector.extract_strided_slice %add3A_1077 {offsets = [0, 0], sizes = [64, 512], strides = [1, 1]} : vector<128x512xi16> to vector<64x512xi16>
      %slice3A_1079 = vector.extract_strided_slice %add3A_1077 {offsets = [64, 0], sizes = [64, 512], strides = [1, 1]} : vector<128x512xi16> to vector<64x512xi16>
      %add3A_1080 = arith.addi %slice3A_1078, %slice3A_1079 : vector<64x512xi16>
      %slice3A_1081 = vector.extract_strided_slice %add3A_1080 {offsets = [0, 0], sizes = [32, 512], strides = [1, 1]} : vector<64x512xi16> to vector<32x512xi16>
      %slice3A_1082 = vector.extract_strided_slice %add3A_1080 {offsets = [32, 0], sizes = [32, 512], strides = [1, 1]} : vector<64x512xi16> to vector<32x512xi16>
      %add3A_1083 = arith.addi %slice3A_1081, %slice3A_1082 : vector<32x512xi16>
      %slice3A_1084 = vector.extract_strided_slice %add3A_1083 {offsets = [0, 0], sizes = [16, 512], strides = [1, 1]} : vector<32x512xi16> to vector<16x512xi16>
      %slice3A_1085 = vector.extract_strided_slice %add3A_1083 {offsets = [16, 0], sizes = [16, 512], strides = [1, 1]} : vector<32x512xi16> to vector<16x512xi16>
      %add3A_1086 = arith.addi %slice3A_1084, %slice3A_1085 : vector<16x512xi16>
      %convert_element_type3A_1087 = arith.extsi %add3A_1086 : vector<16x512xi16> to vector<16x512xi32>
      %reduce_sum3A_1088 = arith.constant dense<0> : vector<512xi32>
      %reduce_sum3A_1089 = vector.multi_reduction <add>, %convert_element_type3A_1087, %reduce_sum3A_1088 [0] : vector<16x512xi32> to vector<512xi32>
      %broadcast_in_dim3A_1090 = vector.shape_cast %reduce_sum3A_1089 : vector<512xi32> to vector<1x512xi32>
      %not3A_1091 = arith.constant dense<-1> : vector<1x512xi32>
      %not3A_1092 = arith.xori %or3A_1059, %not3A_1091 : vector<1x512xi32>
      %and3A_1093 = arith.constant 65535 : i32
      %and3A_1094 = vector.broadcast %and3A_1093 : i32 to vector<1x512xi32>
      %and3A_1095 = arith.andi %not3A_1092, %and3A_1094 : vector<1x512xi32>
      %sub3A_1096 = arith.constant 32768 : i32
      %sub3A_1097 = vector.broadcast %sub3A_1096 : i32 to vector<1x512xi32>
      %sub3A_1098 = arith.subi %and3A_1095, %sub3A_1097 : vector<1x512xi32>
      %convert_element_type3A_1099 = arith.trunci %sub3A_1098 : vector<1x512xi32> to vector<1x512xi16>
      %le3A_1100 = vector.broadcast %convert_element_type3A_1099 : vector<1x512xi16> to vector<1024x512xi16>
      %le3A_1101 = arith.cmpi sle, %convert_element_type3A, %le3A_1100 : vector<1024x512xi16>
      %broadcast_in_dim3A_1102 = vector.broadcast %scan3A : i16 to vector<1024x512xi16>
      %broadcast_in_dim3A_1103 = vector.broadcast %scan3A_17 : i16 to vector<1024x512xi16>
      %select_n3A_1104 = arith.select %le3A_1101, %broadcast_in_dim3A_1102, %broadcast_in_dim3A_1103 : vector<1024x512xi1>, vector<1024x512xi16>
      %slice3A_1105 = vector.extract_strided_slice %select_n3A_1104 {offsets = [0, 0], sizes = [512, 512], strides = [1, 1]} : vector<1024x512xi16> to vector<512x512xi16>
      %slice3A_1106 = vector.extract_strided_slice %select_n3A_1104 {offsets = [512, 0], sizes = [512, 512], strides = [1, 1]} : vector<1024x512xi16> to vector<512x512xi16>
      %add3A_1107 = arith.addi %slice3A_1105, %slice3A_1106 : vector<512x512xi16>
      %slice3A_1108 = vector.extract_strided_slice %add3A_1107 {offsets = [0, 0], sizes = [256, 512], strides = [1, 1]} : vector<512x512xi16> to vector<256x512xi16>
      %slice3A_1109 = vector.extract_strided_slice %add3A_1107 {offsets = [256, 0], sizes = [256, 512], strides = [1, 1]} : vector<512x512xi16> to vector<256x512xi16>
      %add3A_1110 = arith.addi %slice3A_1108, %slice3A_1109 : vector<256x512xi16>
      %slice3A_1111 = vector.extract_strided_slice %add3A_1110 {offsets = [0, 0], sizes = [128, 512], strides = [1, 1]} : vector<256x512xi16> to vector<128x512xi16>
      %slice3A_1112 = vector.extract_strided_slice %add3A_1110 {offsets = [128, 0], sizes = [128, 512], strides = [1, 1]} : vector<256x512xi16> to vector<128x512xi16>
      %add3A_1113 = arith.addi %slice3A_1111, %slice3A_1112 : vector<128x512xi16>
      %slice3A_1114 = vector.extract_strided_slice %add3A_1113 {offsets = [0, 0], sizes = [64, 512], strides = [1, 1]} : vector<128x512xi16> to vector<64x512xi16>
      %slice3A_1115 = vector.extract_strided_slice %add3A_1113 {offsets = [64, 0], sizes = [64, 512], strides = [1, 1]} : vector<128x512xi16> to vector<64x512xi16>
      %add3A_1116 = arith.addi %slice3A_1114, %slice3A_1115 : vector<64x512xi16>
      %slice3A_1117 = vector.extract_strided_slice %add3A_1116 {offsets = [0, 0], sizes = [32, 512], strides = [1, 1]} : vector<64x512xi16> to vector<32x512xi16>
      %slice3A_1118 = vector.extract_strided_slice %add3A_1116 {offsets = [32, 0], sizes = [32, 512], strides = [1, 1]} : vector<64x512xi16> to vector<32x512xi16>
      %add3A_1119 = arith.addi %slice3A_1117, %slice3A_1118 : vector<32x512xi16>
      %slice3A_1120 = vector.extract_strided_slice %add3A_1119 {offsets = [0, 0], sizes = [16, 512], strides = [1, 1]} : vector<32x512xi16> to vector<16x512xi16>
      %slice3A_1121 = vector.extract_strided_slice %add3A_1119 {offsets = [16, 0], sizes = [16, 512], strides = [1, 1]} : vector<32x512xi16> to vector<16x512xi16>
      %add3A_1122 = arith.addi %slice3A_1120, %slice3A_1121 : vector<16x512xi16>
      %convert_element_type3A_1123 = arith.extsi %add3A_1122 : vector<16x512xi16> to vector<16x512xi32>
      %reduce_sum3A_1124 = arith.constant dense<0> : vector<512xi32>
      %reduce_sum3A_1125 = vector.multi_reduction <add>, %convert_element_type3A_1123, %reduce_sum3A_1124 [0] : vector<16x512xi32> to vector<512xi32>
      %broadcast_in_dim3A_1126 = vector.shape_cast %reduce_sum3A_1125 : vector<512xi32> to vector<1x512xi32>
      %ge3A_1127 = arith.constant 205 : i32
      %ge3A_1128 = vector.broadcast %ge3A_1127 : i32 to vector<1x512xi32>
      %ge3A_1129 = arith.cmpi sge, %broadcast_in_dim3A_1090, %ge3A_1128 : vector<1x512xi32>
      %select_n3A_1130 = arith.select %ge3A_1129, %or3A_1058, %select_n3A_1048 : vector<1x512xi1>, vector<1x512xi32>
      %ge3A_1131 = arith.constant 205 : i32
      %ge3A_1132 = vector.broadcast %ge3A_1131 : i32 to vector<1x512xi32>
      %ge3A_1133 = arith.cmpi sge, %broadcast_in_dim3A_1126, %ge3A_1132 : vector<1x512xi32>
      %select_n3A_1134 = arith.select %ge3A_1133, %or3A_1059, %select_n3A_1052 : vector<1x512xi1>, vector<1x512xi32>
      %shift_right_logical3A_1135 = arith.constant 1 : i32
      %shift_right_logical3A_1136 = vector.broadcast %shift_right_logical3A_1135 : i32 to vector<1x512xi32>
      %shift_right_logical3A_1137 = arith.shrui %shift_right_logical3A_1055, %shift_right_logical3A_1136 : vector<1x512xi32>
      %scan3A_1138 = arith.constant 6 : i32
      %scan3A_1139 = arith.addi %scan3A_644, %scan3A_1138 : i32
      %or3A_1140 = arith.ori %select_n3A_1130, %shift_right_logical3A_1137 : vector<1x512xi32>
      %or3A_1141 = arith.ori %select_n3A_1134, %shift_right_logical3A_1137 : vector<1x512xi32>
      %sub3A_1142 = arith.constant 32768 : i32
      %sub3A_1143 = vector.broadcast %sub3A_1142 : i32 to vector<1x512xi32>
      %sub3A_1144 = arith.subi %or3A_1140, %sub3A_1143 : vector<1x512xi32>
      %convert_element_type3A_1145 = arith.trunci %sub3A_1144 : vector<1x512xi32> to vector<1x512xi16>
      %ge3A_1146 = vector.broadcast %convert_element_type3A_1145 : vector<1x512xi16> to vector<1024x512xi16>
      %ge3A_1147 = arith.cmpi sge, %convert_element_type3A, %ge3A_1146 : vector<1024x512xi16>
      %broadcast_in_dim3A_1148 = vector.broadcast %scan3A : i16 to vector<1024x512xi16>
      %broadcast_in_dim3A_1149 = vector.broadcast %scan3A_17 : i16 to vector<1024x512xi16>
      %select_n3A_1150 = arith.select %ge3A_1147, %broadcast_in_dim3A_1148, %broadcast_in_dim3A_1149 : vector<1024x512xi1>, vector<1024x512xi16>
      %slice3A_1151 = vector.extract_strided_slice %select_n3A_1150 {offsets = [0, 0], sizes = [512, 512], strides = [1, 1]} : vector<1024x512xi16> to vector<512x512xi16>
      %slice3A_1152 = vector.extract_strided_slice %select_n3A_1150 {offsets = [512, 0], sizes = [512, 512], strides = [1, 1]} : vector<1024x512xi16> to vector<512x512xi16>
      %add3A_1153 = arith.addi %slice3A_1151, %slice3A_1152 : vector<512x512xi16>
      %slice3A_1154 = vector.extract_strided_slice %add3A_1153 {offsets = [0, 0], sizes = [256, 512], strides = [1, 1]} : vector<512x512xi16> to vector<256x512xi16>
      %slice3A_1155 = vector.extract_strided_slice %add3A_1153 {offsets = [256, 0], sizes = [256, 512], strides = [1, 1]} : vector<512x512xi16> to vector<256x512xi16>
      %add3A_1156 = arith.addi %slice3A_1154, %slice3A_1155 : vector<256x512xi16>
      %slice3A_1157 = vector.extract_strided_slice %add3A_1156 {offsets = [0, 0], sizes = [128, 512], strides = [1, 1]} : vector<256x512xi16> to vector<128x512xi16>
      %slice3A_1158 = vector.extract_strided_slice %add3A_1156 {offsets = [128, 0], sizes = [128, 512], strides = [1, 1]} : vector<256x512xi16> to vector<128x512xi16>
      %add3A_1159 = arith.addi %slice3A_1157, %slice3A_1158 : vector<128x512xi16>
      %slice3A_1160 = vector.extract_strided_slice %add3A_1159 {offsets = [0, 0], sizes = [64, 512], strides = [1, 1]} : vector<128x512xi16> to vector<64x512xi16>
      %slice3A_1161 = vector.extract_strided_slice %add3A_1159 {offsets = [64, 0], sizes = [64, 512], strides = [1, 1]} : vector<128x512xi16> to vector<64x512xi16>
      %add3A_1162 = arith.addi %slice3A_1160, %slice3A_1161 : vector<64x512xi16>
      %slice3A_1163 = vector.extract_strided_slice %add3A_1162 {offsets = [0, 0], sizes = [32, 512], strides = [1, 1]} : vector<64x512xi16> to vector<32x512xi16>
      %slice3A_1164 = vector.extract_strided_slice %add3A_1162 {offsets = [32, 0], sizes = [32, 512], strides = [1, 1]} : vector<64x512xi16> to vector<32x512xi16>
      %add3A_1165 = arith.addi %slice3A_1163, %slice3A_1164 : vector<32x512xi16>
      %slice3A_1166 = vector.extract_strided_slice %add3A_1165 {offsets = [0, 0], sizes = [16, 512], strides = [1, 1]} : vector<32x512xi16> to vector<16x512xi16>
      %slice3A_1167 = vector.extract_strided_slice %add3A_1165 {offsets = [16, 0], sizes = [16, 512], strides = [1, 1]} : vector<32x512xi16> to vector<16x512xi16>
      %add3A_1168 = arith.addi %slice3A_1166, %slice3A_1167 : vector<16x512xi16>
      %convert_element_type3A_1169 = arith.extsi %add3A_1168 : vector<16x512xi16> to vector<16x512xi32>
      %reduce_sum3A_1170 = arith.constant dense<0> : vector<512xi32>
      %reduce_sum3A_1171 = vector.multi_reduction <add>, %convert_element_type3A_1169, %reduce_sum3A_1170 [0] : vector<16x512xi32> to vector<512xi32>
      %broadcast_in_dim3A_1172 = vector.shape_cast %reduce_sum3A_1171 : vector<512xi32> to vector<1x512xi32>
      %not3A_1173 = arith.constant dense<-1> : vector<1x512xi32>
      %not3A_1174 = arith.xori %or3A_1141, %not3A_1173 : vector<1x512xi32>
      %and3A_1175 = arith.constant 65535 : i32
      %and3A_1176 = vector.broadcast %and3A_1175 : i32 to vector<1x512xi32>
      %and3A_1177 = arith.andi %not3A_1174, %and3A_1176 : vector<1x512xi32>
      %sub3A_1178 = arith.constant 32768 : i32
      %sub3A_1179 = vector.broadcast %sub3A_1178 : i32 to vector<1x512xi32>
      %sub3A_1180 = arith.subi %and3A_1177, %sub3A_1179 : vector<1x512xi32>
      %convert_element_type3A_1181 = arith.trunci %sub3A_1180 : vector<1x512xi32> to vector<1x512xi16>
      %le3A_1182 = vector.broadcast %convert_element_type3A_1181 : vector<1x512xi16> to vector<1024x512xi16>
      %le3A_1183 = arith.cmpi sle, %convert_element_type3A, %le3A_1182 : vector<1024x512xi16>
      %broadcast_in_dim3A_1184 = vector.broadcast %scan3A : i16 to vector<1024x512xi16>
      %broadcast_in_dim3A_1185 = vector.broadcast %scan3A_17 : i16 to vector<1024x512xi16>
      %select_n3A_1186 = arith.select %le3A_1183, %broadcast_in_dim3A_1184, %broadcast_in_dim3A_1185 : vector<1024x512xi1>, vector<1024x512xi16>
      %slice3A_1187 = vector.extract_strided_slice %select_n3A_1186 {offsets = [0, 0], sizes = [512, 512], strides = [1, 1]} : vector<1024x512xi16> to vector<512x512xi16>
      %slice3A_1188 = vector.extract_strided_slice %select_n3A_1186 {offsets = [512, 0], sizes = [512, 512], strides = [1, 1]} : vector<1024x512xi16> to vector<512x512xi16>
      %add3A_1189 = arith.addi %slice3A_1187, %slice3A_1188 : vector<512x512xi16>
      %slice3A_1190 = vector.extract_strided_slice %add3A_1189 {offsets = [0, 0], sizes = [256, 512], strides = [1, 1]} : vector<512x512xi16> to vector<256x512xi16>
      %slice3A_1191 = vector.extract_strided_slice %add3A_1189 {offsets = [256, 0], sizes = [256, 512], strides = [1, 1]} : vector<512x512xi16> to vector<256x512xi16>
      %add3A_1192 = arith.addi %slice3A_1190, %slice3A_1191 : vector<256x512xi16>
      %slice3A_1193 = vector.extract_strided_slice %add3A_1192 {offsets = [0, 0], sizes = [128, 512], strides = [1, 1]} : vector<256x512xi16> to vector<128x512xi16>
      %slice3A_1194 = vector.extract_strided_slice %add3A_1192 {offsets = [128, 0], sizes = [128, 512], strides = [1, 1]} : vector<256x512xi16> to vector<128x512xi16>
      %add3A_1195 = arith.addi %slice3A_1193, %slice3A_1194 : vector<128x512xi16>
      %slice3A_1196 = vector.extract_strided_slice %add3A_1195 {offsets = [0, 0], sizes = [64, 512], strides = [1, 1]} : vector<128x512xi16> to vector<64x512xi16>
      %slice3A_1197 = vector.extract_strided_slice %add3A_1195 {offsets = [64, 0], sizes = [64, 512], strides = [1, 1]} : vector<128x512xi16> to vector<64x512xi16>
      %add3A_1198 = arith.addi %slice3A_1196, %slice3A_1197 : vector<64x512xi16>
      %slice3A_1199 = vector.extract_strided_slice %add3A_1198 {offsets = [0, 0], sizes = [32, 512], strides = [1, 1]} : vector<64x512xi16> to vector<32x512xi16>
      %slice3A_1200 = vector.extract_strided_slice %add3A_1198 {offsets = [32, 0], sizes = [32, 512], strides = [1, 1]} : vector<64x512xi16> to vector<32x512xi16>
      %add3A_1201 = arith.addi %slice3A_1199, %slice3A_1200 : vector<32x512xi16>
      %slice3A_1202 = vector.extract_strided_slice %add3A_1201 {offsets = [0, 0], sizes = [16, 512], strides = [1, 1]} : vector<32x512xi16> to vector<16x512xi16>
      %slice3A_1203 = vector.extract_strided_slice %add3A_1201 {offsets = [16, 0], sizes = [16, 512], strides = [1, 1]} : vector<32x512xi16> to vector<16x512xi16>
      %add3A_1204 = arith.addi %slice3A_1202, %slice3A_1203 : vector<16x512xi16>
      %convert_element_type3A_1205 = arith.extsi %add3A_1204 : vector<16x512xi16> to vector<16x512xi32>
      %reduce_sum3A_1206 = arith.constant dense<0> : vector<512xi32>
      %reduce_sum3A_1207 = vector.multi_reduction <add>, %convert_element_type3A_1205, %reduce_sum3A_1206 [0] : vector<16x512xi32> to vector<512xi32>
      %broadcast_in_dim3A_1208 = vector.shape_cast %reduce_sum3A_1207 : vector<512xi32> to vector<1x512xi32>
      %ge3A_1209 = arith.constant 205 : i32
      %ge3A_1210 = vector.broadcast %ge3A_1209 : i32 to vector<1x512xi32>
      %ge3A_1211 = arith.cmpi sge, %broadcast_in_dim3A_1172, %ge3A_1210 : vector<1x512xi32>
      %select_n3A_1212 = arith.select %ge3A_1211, %or3A_1140, %select_n3A_1130 : vector<1x512xi1>, vector<1x512xi32>
      %ge3A_1213 = arith.constant 205 : i32
      %ge3A_1214 = vector.broadcast %ge3A_1213 : i32 to vector<1x512xi32>
      %ge3A_1215 = arith.cmpi sge, %broadcast_in_dim3A_1208, %ge3A_1214 : vector<1x512xi32>
      %select_n3A_1216 = arith.select %ge3A_1215, %or3A_1141, %select_n3A_1134 : vector<1x512xi1>, vector<1x512xi32>
      %shift_right_logical3A_1217 = arith.constant 1 : i32
      %shift_right_logical3A_1218 = vector.broadcast %shift_right_logical3A_1217 : i32 to vector<1x512xi32>
      %shift_right_logical3A_1219 = arith.shrui %shift_right_logical3A_1137, %shift_right_logical3A_1218 : vector<1x512xi32>
      scf.yield %select_n3A_1212, %select_n3A_1216, %shift_right_logical3A_1219 : vector<1x512xi32>, vector<1x512xi32>, vector<1x512xi32>
    }
    %scan3A_23 = arith.constant 7 : i32
    %scan3A_24 = arith.addi %scan3A_18, %scan3A_23 : i32
    %or3A_25 = arith.ori %scan3A_22#0, %scan3A_22#2 : vector<1x512xi32>
    %or3A_26 = arith.ori %scan3A_22#1, %scan3A_22#2 : vector<1x512xi32>
    %sub3A_27 = arith.constant 32768 : i32
    %sub3A_28 = vector.broadcast %sub3A_27 : i32 to vector<1x512xi32>
    %sub3A_29 = arith.subi %or3A_25, %sub3A_28 : vector<1x512xi32>
    %convert_element_type3A_30 = arith.trunci %sub3A_29 : vector<1x512xi32> to vector<1x512xi16>
    %ge3A = vector.broadcast %convert_element_type3A_30 : vector<1x512xi16> to vector<1024x512xi16>
    %ge3A_31 = arith.cmpi sge, %convert_element_type3A, %ge3A : vector<1024x512xi16>
    %broadcast_in_dim3A_32 = vector.broadcast %scan3A : i16 to vector<1024x512xi16>
    %broadcast_in_dim3A_33 = vector.broadcast %scan3A_17 : i16 to vector<1024x512xi16>
    %select_n3A_34 = arith.select %ge3A_31, %broadcast_in_dim3A_32, %broadcast_in_dim3A_33 : vector<1024x512xi1>, vector<1024x512xi16>
    %slice3A = vector.extract_strided_slice %select_n3A_34 {offsets = [0, 0], sizes = [512, 512], strides = [1, 1]} : vector<1024x512xi16> to vector<512x512xi16>
    %slice3A_35 = vector.extract_strided_slice %select_n3A_34 {offsets = [512, 0], sizes = [512, 512], strides = [1, 1]} : vector<1024x512xi16> to vector<512x512xi16>
    %add3A = arith.addi %slice3A, %slice3A_35 : vector<512x512xi16>
    %slice3A_36 = vector.extract_strided_slice %add3A {offsets = [0, 0], sizes = [256, 512], strides = [1, 1]} : vector<512x512xi16> to vector<256x512xi16>
    %slice3A_37 = vector.extract_strided_slice %add3A {offsets = [256, 0], sizes = [256, 512], strides = [1, 1]} : vector<512x512xi16> to vector<256x512xi16>
    %add3A_38 = arith.addi %slice3A_36, %slice3A_37 : vector<256x512xi16>
    %slice3A_39 = vector.extract_strided_slice %add3A_38 {offsets = [0, 0], sizes = [128, 512], strides = [1, 1]} : vector<256x512xi16> to vector<128x512xi16>
    %slice3A_40 = vector.extract_strided_slice %add3A_38 {offsets = [128, 0], sizes = [128, 512], strides = [1, 1]} : vector<256x512xi16> to vector<128x512xi16>
    %add3A_41 = arith.addi %slice3A_39, %slice3A_40 : vector<128x512xi16>
    %slice3A_42 = vector.extract_strided_slice %add3A_41 {offsets = [0, 0], sizes = [64, 512], strides = [1, 1]} : vector<128x512xi16> to vector<64x512xi16>
    %slice3A_43 = vector.extract_strided_slice %add3A_41 {offsets = [64, 0], sizes = [64, 512], strides = [1, 1]} : vector<128x512xi16> to vector<64x512xi16>
    %add3A_44 = arith.addi %slice3A_42, %slice3A_43 : vector<64x512xi16>
    %slice3A_45 = vector.extract_strided_slice %add3A_44 {offsets = [0, 0], sizes = [32, 512], strides = [1, 1]} : vector<64x512xi16> to vector<32x512xi16>
    %slice3A_46 = vector.extract_strided_slice %add3A_44 {offsets = [32, 0], sizes = [32, 512], strides = [1, 1]} : vector<64x512xi16> to vector<32x512xi16>
    %add3A_47 = arith.addi %slice3A_45, %slice3A_46 : vector<32x512xi16>
    %slice3A_48 = vector.extract_strided_slice %add3A_47 {offsets = [0, 0], sizes = [16, 512], strides = [1, 1]} : vector<32x512xi16> to vector<16x512xi16>
    %slice3A_49 = vector.extract_strided_slice %add3A_47 {offsets = [16, 0], sizes = [16, 512], strides = [1, 1]} : vector<32x512xi16> to vector<16x512xi16>
    %add3A_50 = arith.addi %slice3A_48, %slice3A_49 : vector<16x512xi16>
    %convert_element_type3A_51 = arith.extsi %add3A_50 : vector<16x512xi16> to vector<16x512xi32>
    %reduce_sum3A = arith.constant dense<0> : vector<512xi32>
    %reduce_sum3A_52 = vector.multi_reduction <add>, %convert_element_type3A_51, %reduce_sum3A [0] : vector<16x512xi32> to vector<512xi32>
    %broadcast_in_dim3A_53 = vector.shape_cast %reduce_sum3A_52 : vector<512xi32> to vector<1x512xi32>
    %not3A_54 = arith.constant dense<-1> : vector<1x512xi32>
    %not3A_55 = arith.xori %or3A_26, %not3A_54 : vector<1x512xi32>
    %and3A = arith.constant 65535 : i32
    %and3A_56 = vector.broadcast %and3A : i32 to vector<1x512xi32>
    %and3A_57 = arith.andi %not3A_55, %and3A_56 : vector<1x512xi32>
    %sub3A_58 = arith.constant 32768 : i32
    %sub3A_59 = vector.broadcast %sub3A_58 : i32 to vector<1x512xi32>
    %sub3A_60 = arith.subi %and3A_57, %sub3A_59 : vector<1x512xi32>
    %convert_element_type3A_61 = arith.trunci %sub3A_60 : vector<1x512xi32> to vector<1x512xi16>
    %le3A = vector.broadcast %convert_element_type3A_61 : vector<1x512xi16> to vector<1024x512xi16>
    %le3A_62 = arith.cmpi sle, %convert_element_type3A, %le3A : vector<1024x512xi16>
    %broadcast_in_dim3A_63 = vector.broadcast %scan3A : i16 to vector<1024x512xi16>
    %broadcast_in_dim3A_64 = vector.broadcast %scan3A_17 : i16 to vector<1024x512xi16>
    %select_n3A_65 = arith.select %le3A_62, %broadcast_in_dim3A_63, %broadcast_in_dim3A_64 : vector<1024x512xi1>, vector<1024x512xi16>
    %slice3A_66 = vector.extract_strided_slice %select_n3A_65 {offsets = [0, 0], sizes = [512, 512], strides = [1, 1]} : vector<1024x512xi16> to vector<512x512xi16>
    %slice3A_67 = vector.extract_strided_slice %select_n3A_65 {offsets = [512, 0], sizes = [512, 512], strides = [1, 1]} : vector<1024x512xi16> to vector<512x512xi16>
    %add3A_68 = arith.addi %slice3A_66, %slice3A_67 : vector<512x512xi16>
    %slice3A_69 = vector.extract_strided_slice %add3A_68 {offsets = [0, 0], sizes = [256, 512], strides = [1, 1]} : vector<512x512xi16> to vector<256x512xi16>
    %slice3A_70 = vector.extract_strided_slice %add3A_68 {offsets = [256, 0], sizes = [256, 512], strides = [1, 1]} : vector<512x512xi16> to vector<256x512xi16>
    %add3A_71 = arith.addi %slice3A_69, %slice3A_70 : vector<256x512xi16>
    %slice3A_72 = vector.extract_strided_slice %add3A_71 {offsets = [0, 0], sizes = [128, 512], strides = [1, 1]} : vector<256x512xi16> to vector<128x512xi16>
    %slice3A_73 = vector.extract_strided_slice %add3A_71 {offsets = [128, 0], sizes = [128, 512], strides = [1, 1]} : vector<256x512xi16> to vector<128x512xi16>
    %add3A_74 = arith.addi %slice3A_72, %slice3A_73 : vector<128x512xi16>
    %slice3A_75 = vector.extract_strided_slice %add3A_74 {offsets = [0, 0], sizes = [64, 512], strides = [1, 1]} : vector<128x512xi16> to vector<64x512xi16>
    %slice3A_76 = vector.extract_strided_slice %add3A_74 {offsets = [64, 0], sizes = [64, 512], strides = [1, 1]} : vector<128x512xi16> to vector<64x512xi16>
    %add3A_77 = arith.addi %slice3A_75, %slice3A_76 : vector<64x512xi16>
    %slice3A_78 = vector.extract_strided_slice %add3A_77 {offsets = [0, 0], sizes = [32, 512], strides = [1, 1]} : vector<64x512xi16> to vector<32x512xi16>
    %slice3A_79 = vector.extract_strided_slice %add3A_77 {offsets = [32, 0], sizes = [32, 512], strides = [1, 1]} : vector<64x512xi16> to vector<32x512xi16>
    %add3A_80 = arith.addi %slice3A_78, %slice3A_79 : vector<32x512xi16>
    %slice3A_81 = vector.extract_strided_slice %add3A_80 {offsets = [0, 0], sizes = [16, 512], strides = [1, 1]} : vector<32x512xi16> to vector<16x512xi16>
    %slice3A_82 = vector.extract_strided_slice %add3A_80 {offsets = [16, 0], sizes = [16, 512], strides = [1, 1]} : vector<32x512xi16> to vector<16x512xi16>
    %add3A_83 = arith.addi %slice3A_81, %slice3A_82 : vector<16x512xi16>
    %convert_element_type3A_84 = arith.extsi %add3A_83 : vector<16x512xi16> to vector<16x512xi32>
    %reduce_sum3A_85 = arith.constant dense<0> : vector<512xi32>
    %reduce_sum3A_86 = vector.multi_reduction <add>, %convert_element_type3A_84, %reduce_sum3A_85 [0] : vector<16x512xi32> to vector<512xi32>
    %broadcast_in_dim3A_87 = vector.shape_cast %reduce_sum3A_86 : vector<512xi32> to vector<1x512xi32>
    %ge3A_88 = arith.constant 205 : i32
    %ge3A_89 = vector.broadcast %ge3A_88 : i32 to vector<1x512xi32>
    %ge3A_90 = arith.cmpi sge, %broadcast_in_dim3A_53, %ge3A_89 : vector<1x512xi32>
    %select_n3A_91 = arith.select %ge3A_90, %or3A_25, %scan3A_22#0 : vector<1x512xi1>, vector<1x512xi32>
    %ge3A_92 = arith.constant 205 : i32
    %ge3A_93 = vector.broadcast %ge3A_92 : i32 to vector<1x512xi32>
    %ge3A_94 = arith.cmpi sge, %broadcast_in_dim3A_87, %ge3A_93 : vector<1x512xi32>
    %select_n3A_95 = arith.select %ge3A_94, %or3A_26, %scan3A_22#1 : vector<1x512xi1>, vector<1x512xi32>
    %shift_right_logical3A_96 = arith.constant 1 : i32
    %shift_right_logical3A_97 = vector.broadcast %shift_right_logical3A_96 : i32 to vector<1x512xi32>
    %shift_right_logical3A_98 = arith.shrui %scan3A_22#2, %shift_right_logical3A_97 : vector<1x512xi32>
    %scan3A_99 = arith.constant 8 : i32
    %scan3A_100 = arith.addi %scan3A_18, %scan3A_99 : i32
    %or3A_101 = arith.ori %select_n3A_91, %shift_right_logical3A_98 : vector<1x512xi32>
    %or3A_102 = arith.ori %select_n3A_95, %shift_right_logical3A_98 : vector<1x512xi32>
    %sub3A_103 = arith.constant 32768 : i32
    %sub3A_104 = vector.broadcast %sub3A_103 : i32 to vector<1x512xi32>
    %sub3A_105 = arith.subi %or3A_101, %sub3A_104 : vector<1x512xi32>
    %convert_element_type3A_106 = arith.trunci %sub3A_105 : vector<1x512xi32> to vector<1x512xi16>
    %ge3A_107 = vector.broadcast %convert_element_type3A_106 : vector<1x512xi16> to vector<1024x512xi16>
    %ge3A_108 = arith.cmpi sge, %convert_element_type3A, %ge3A_107 : vector<1024x512xi16>
    %broadcast_in_dim3A_109 = vector.broadcast %scan3A : i16 to vector<1024x512xi16>
    %broadcast_in_dim3A_110 = vector.broadcast %scan3A_17 : i16 to vector<1024x512xi16>
    %select_n3A_111 = arith.select %ge3A_108, %broadcast_in_dim3A_109, %broadcast_in_dim3A_110 : vector<1024x512xi1>, vector<1024x512xi16>
    %slice3A_112 = vector.extract_strided_slice %select_n3A_111 {offsets = [0, 0], sizes = [512, 512], strides = [1, 1]} : vector<1024x512xi16> to vector<512x512xi16>
    %slice3A_113 = vector.extract_strided_slice %select_n3A_111 {offsets = [512, 0], sizes = [512, 512], strides = [1, 1]} : vector<1024x512xi16> to vector<512x512xi16>
    %add3A_114 = arith.addi %slice3A_112, %slice3A_113 : vector<512x512xi16>
    %slice3A_115 = vector.extract_strided_slice %add3A_114 {offsets = [0, 0], sizes = [256, 512], strides = [1, 1]} : vector<512x512xi16> to vector<256x512xi16>
    %slice3A_116 = vector.extract_strided_slice %add3A_114 {offsets = [256, 0], sizes = [256, 512], strides = [1, 1]} : vector<512x512xi16> to vector<256x512xi16>
    %add3A_117 = arith.addi %slice3A_115, %slice3A_116 : vector<256x512xi16>
    %slice3A_118 = vector.extract_strided_slice %add3A_117 {offsets = [0, 0], sizes = [128, 512], strides = [1, 1]} : vector<256x512xi16> to vector<128x512xi16>
    %slice3A_119 = vector.extract_strided_slice %add3A_117 {offsets = [128, 0], sizes = [128, 512], strides = [1, 1]} : vector<256x512xi16> to vector<128x512xi16>
    %add3A_120 = arith.addi %slice3A_118, %slice3A_119 : vector<128x512xi16>
    %slice3A_121 = vector.extract_strided_slice %add3A_120 {offsets = [0, 0], sizes = [64, 512], strides = [1, 1]} : vector<128x512xi16> to vector<64x512xi16>
    %slice3A_122 = vector.extract_strided_slice %add3A_120 {offsets = [64, 0], sizes = [64, 512], strides = [1, 1]} : vector<128x512xi16> to vector<64x512xi16>
    %add3A_123 = arith.addi %slice3A_121, %slice3A_122 : vector<64x512xi16>
    %slice3A_124 = vector.extract_strided_slice %add3A_123 {offsets = [0, 0], sizes = [32, 512], strides = [1, 1]} : vector<64x512xi16> to vector<32x512xi16>
    %slice3A_125 = vector.extract_strided_slice %add3A_123 {offsets = [32, 0], sizes = [32, 512], strides = [1, 1]} : vector<64x512xi16> to vector<32x512xi16>
    %add3A_126 = arith.addi %slice3A_124, %slice3A_125 : vector<32x512xi16>
    %slice3A_127 = vector.extract_strided_slice %add3A_126 {offsets = [0, 0], sizes = [16, 512], strides = [1, 1]} : vector<32x512xi16> to vector<16x512xi16>
    %slice3A_128 = vector.extract_strided_slice %add3A_126 {offsets = [16, 0], sizes = [16, 512], strides = [1, 1]} : vector<32x512xi16> to vector<16x512xi16>
    %add3A_129 = arith.addi %slice3A_127, %slice3A_128 : vector<16x512xi16>
    %convert_element_type3A_130 = arith.extsi %add3A_129 : vector<16x512xi16> to vector<16x512xi32>
    %reduce_sum3A_131 = arith.constant dense<0> : vector<512xi32>
    %reduce_sum3A_132 = vector.multi_reduction <add>, %convert_element_type3A_130, %reduce_sum3A_131 [0] : vector<16x512xi32> to vector<512xi32>
    %broadcast_in_dim3A_133 = vector.shape_cast %reduce_sum3A_132 : vector<512xi32> to vector<1x512xi32>
    %not3A_134 = arith.constant dense<-1> : vector<1x512xi32>
    %not3A_135 = arith.xori %or3A_102, %not3A_134 : vector<1x512xi32>
    %and3A_136 = arith.constant 65535 : i32
    %and3A_137 = vector.broadcast %and3A_136 : i32 to vector<1x512xi32>
    %and3A_138 = arith.andi %not3A_135, %and3A_137 : vector<1x512xi32>
    %sub3A_139 = arith.constant 32768 : i32
    %sub3A_140 = vector.broadcast %sub3A_139 : i32 to vector<1x512xi32>
    %sub3A_141 = arith.subi %and3A_138, %sub3A_140 : vector<1x512xi32>
    %convert_element_type3A_142 = arith.trunci %sub3A_141 : vector<1x512xi32> to vector<1x512xi16>
    %le3A_143 = vector.broadcast %convert_element_type3A_142 : vector<1x512xi16> to vector<1024x512xi16>
    %le3A_144 = arith.cmpi sle, %convert_element_type3A, %le3A_143 : vector<1024x512xi16>
    %broadcast_in_dim3A_145 = vector.broadcast %scan3A : i16 to vector<1024x512xi16>
    %broadcast_in_dim3A_146 = vector.broadcast %scan3A_17 : i16 to vector<1024x512xi16>
    %select_n3A_147 = arith.select %le3A_144, %broadcast_in_dim3A_145, %broadcast_in_dim3A_146 : vector<1024x512xi1>, vector<1024x512xi16>
    %slice3A_148 = vector.extract_strided_slice %select_n3A_147 {offsets = [0, 0], sizes = [512, 512], strides = [1, 1]} : vector<1024x512xi16> to vector<512x512xi16>
    %slice3A_149 = vector.extract_strided_slice %select_n3A_147 {offsets = [512, 0], sizes = [512, 512], strides = [1, 1]} : vector<1024x512xi16> to vector<512x512xi16>
    %add3A_150 = arith.addi %slice3A_148, %slice3A_149 : vector<512x512xi16>
    %slice3A_151 = vector.extract_strided_slice %add3A_150 {offsets = [0, 0], sizes = [256, 512], strides = [1, 1]} : vector<512x512xi16> to vector<256x512xi16>
    %slice3A_152 = vector.extract_strided_slice %add3A_150 {offsets = [256, 0], sizes = [256, 512], strides = [1, 1]} : vector<512x512xi16> to vector<256x512xi16>
    %add3A_153 = arith.addi %slice3A_151, %slice3A_152 : vector<256x512xi16>
    %slice3A_154 = vector.extract_strided_slice %add3A_153 {offsets = [0, 0], sizes = [128, 512], strides = [1, 1]} : vector<256x512xi16> to vector<128x512xi16>
    %slice3A_155 = vector.extract_strided_slice %add3A_153 {offsets = [128, 0], sizes = [128, 512], strides = [1, 1]} : vector<256x512xi16> to vector<128x512xi16>
    %add3A_156 = arith.addi %slice3A_154, %slice3A_155 : vector<128x512xi16>
    %slice3A_157 = vector.extract_strided_slice %add3A_156 {offsets = [0, 0], sizes = [64, 512], strides = [1, 1]} : vector<128x512xi16> to vector<64x512xi16>
    %slice3A_158 = vector.extract_strided_slice %add3A_156 {offsets = [64, 0], sizes = [64, 512], strides = [1, 1]} : vector<128x512xi16> to vector<64x512xi16>
    %add3A_159 = arith.addi %slice3A_157, %slice3A_158 : vector<64x512xi16>
    %slice3A_160 = vector.extract_strided_slice %add3A_159 {offsets = [0, 0], sizes = [32, 512], strides = [1, 1]} : vector<64x512xi16> to vector<32x512xi16>
    %slice3A_161 = vector.extract_strided_slice %add3A_159 {offsets = [32, 0], sizes = [32, 512], strides = [1, 1]} : vector<64x512xi16> to vector<32x512xi16>
    %add3A_162 = arith.addi %slice3A_160, %slice3A_161 : vector<32x512xi16>
    %slice3A_163 = vector.extract_strided_slice %add3A_162 {offsets = [0, 0], sizes = [16, 512], strides = [1, 1]} : vector<32x512xi16> to vector<16x512xi16>
    %slice3A_164 = vector.extract_strided_slice %add3A_162 {offsets = [16, 0], sizes = [16, 512], strides = [1, 1]} : vector<32x512xi16> to vector<16x512xi16>
    %add3A_165 = arith.addi %slice3A_163, %slice3A_164 : vector<16x512xi16>
    %convert_element_type3A_166 = arith.extsi %add3A_165 : vector<16x512xi16> to vector<16x512xi32>
    %reduce_sum3A_167 = arith.constant dense<0> : vector<512xi32>
    %reduce_sum3A_168 = vector.multi_reduction <add>, %convert_element_type3A_166, %reduce_sum3A_167 [0] : vector<16x512xi32> to vector<512xi32>
    %broadcast_in_dim3A_169 = vector.shape_cast %reduce_sum3A_168 : vector<512xi32> to vector<1x512xi32>
    %ge3A_170 = arith.constant 205 : i32
    %ge3A_171 = vector.broadcast %ge3A_170 : i32 to vector<1x512xi32>
    %ge3A_172 = arith.cmpi sge, %broadcast_in_dim3A_133, %ge3A_171 : vector<1x512xi32>
    %select_n3A_173 = arith.select %ge3A_172, %or3A_101, %select_n3A_91 : vector<1x512xi1>, vector<1x512xi32>
    %ge3A_174 = arith.constant 205 : i32
    %ge3A_175 = vector.broadcast %ge3A_174 : i32 to vector<1x512xi32>
    %ge3A_176 = arith.cmpi sge, %broadcast_in_dim3A_169, %ge3A_175 : vector<1x512xi32>
    %select_n3A_177 = arith.select %ge3A_176, %or3A_102, %select_n3A_95 : vector<1x512xi1>, vector<1x512xi32>
    %shift_right_logical3A_178 = arith.constant 1 : i32
    %shift_right_logical3A_179 = vector.broadcast %shift_right_logical3A_178 : i32 to vector<1x512xi32>
    %shift_right_logical3A_180 = arith.shrui %shift_right_logical3A_98, %shift_right_logical3A_179 : vector<1x512xi32>
    %scan3A_181 = arith.constant 9 : i32
    %scan3A_182 = arith.addi %scan3A_18, %scan3A_181 : i32
    %or3A_183 = arith.ori %select_n3A_173, %shift_right_logical3A_180 : vector<1x512xi32>
    %or3A_184 = arith.ori %select_n3A_177, %shift_right_logical3A_180 : vector<1x512xi32>
    %sub3A_185 = arith.constant 32768 : i32
    %sub3A_186 = vector.broadcast %sub3A_185 : i32 to vector<1x512xi32>
    %sub3A_187 = arith.subi %or3A_183, %sub3A_186 : vector<1x512xi32>
    %convert_element_type3A_188 = arith.trunci %sub3A_187 : vector<1x512xi32> to vector<1x512xi16>
    %ge3A_189 = vector.broadcast %convert_element_type3A_188 : vector<1x512xi16> to vector<1024x512xi16>
    %ge3A_190 = arith.cmpi sge, %convert_element_type3A, %ge3A_189 : vector<1024x512xi16>
    %broadcast_in_dim3A_191 = vector.broadcast %scan3A : i16 to vector<1024x512xi16>
    %broadcast_in_dim3A_192 = vector.broadcast %scan3A_17 : i16 to vector<1024x512xi16>
    %select_n3A_193 = arith.select %ge3A_190, %broadcast_in_dim3A_191, %broadcast_in_dim3A_192 : vector<1024x512xi1>, vector<1024x512xi16>
    %slice3A_194 = vector.extract_strided_slice %select_n3A_193 {offsets = [0, 0], sizes = [512, 512], strides = [1, 1]} : vector<1024x512xi16> to vector<512x512xi16>
    %slice3A_195 = vector.extract_strided_slice %select_n3A_193 {offsets = [512, 0], sizes = [512, 512], strides = [1, 1]} : vector<1024x512xi16> to vector<512x512xi16>
    %add3A_196 = arith.addi %slice3A_194, %slice3A_195 : vector<512x512xi16>
    %slice3A_197 = vector.extract_strided_slice %add3A_196 {offsets = [0, 0], sizes = [256, 512], strides = [1, 1]} : vector<512x512xi16> to vector<256x512xi16>
    %slice3A_198 = vector.extract_strided_slice %add3A_196 {offsets = [256, 0], sizes = [256, 512], strides = [1, 1]} : vector<512x512xi16> to vector<256x512xi16>
    %add3A_199 = arith.addi %slice3A_197, %slice3A_198 : vector<256x512xi16>
    %slice3A_200 = vector.extract_strided_slice %add3A_199 {offsets = [0, 0], sizes = [128, 512], strides = [1, 1]} : vector<256x512xi16> to vector<128x512xi16>
    %slice3A_201 = vector.extract_strided_slice %add3A_199 {offsets = [128, 0], sizes = [128, 512], strides = [1, 1]} : vector<256x512xi16> to vector<128x512xi16>
    %add3A_202 = arith.addi %slice3A_200, %slice3A_201 : vector<128x512xi16>
    %slice3A_203 = vector.extract_strided_slice %add3A_202 {offsets = [0, 0], sizes = [64, 512], strides = [1, 1]} : vector<128x512xi16> to vector<64x512xi16>
    %slice3A_204 = vector.extract_strided_slice %add3A_202 {offsets = [64, 0], sizes = [64, 512], strides = [1, 1]} : vector<128x512xi16> to vector<64x512xi16>
    %add3A_205 = arith.addi %slice3A_203, %slice3A_204 : vector<64x512xi16>
    %slice3A_206 = vector.extract_strided_slice %add3A_205 {offsets = [0, 0], sizes = [32, 512], strides = [1, 1]} : vector<64x512xi16> to vector<32x512xi16>
    %slice3A_207 = vector.extract_strided_slice %add3A_205 {offsets = [32, 0], sizes = [32, 512], strides = [1, 1]} : vector<64x512xi16> to vector<32x512xi16>
    %add3A_208 = arith.addi %slice3A_206, %slice3A_207 : vector<32x512xi16>
    %slice3A_209 = vector.extract_strided_slice %add3A_208 {offsets = [0, 0], sizes = [16, 512], strides = [1, 1]} : vector<32x512xi16> to vector<16x512xi16>
    %slice3A_210 = vector.extract_strided_slice %add3A_208 {offsets = [16, 0], sizes = [16, 512], strides = [1, 1]} : vector<32x512xi16> to vector<16x512xi16>
    %add3A_211 = arith.addi %slice3A_209, %slice3A_210 : vector<16x512xi16>
    %convert_element_type3A_212 = arith.extsi %add3A_211 : vector<16x512xi16> to vector<16x512xi32>
    %reduce_sum3A_213 = arith.constant dense<0> : vector<512xi32>
    %reduce_sum3A_214 = vector.multi_reduction <add>, %convert_element_type3A_212, %reduce_sum3A_213 [0] : vector<16x512xi32> to vector<512xi32>
    %broadcast_in_dim3A_215 = vector.shape_cast %reduce_sum3A_214 : vector<512xi32> to vector<1x512xi32>
    %not3A_216 = arith.constant dense<-1> : vector<1x512xi32>
    %not3A_217 = arith.xori %or3A_184, %not3A_216 : vector<1x512xi32>
    %and3A_218 = arith.constant 65535 : i32
    %and3A_219 = vector.broadcast %and3A_218 : i32 to vector<1x512xi32>
    %and3A_220 = arith.andi %not3A_217, %and3A_219 : vector<1x512xi32>
    %sub3A_221 = arith.constant 32768 : i32
    %sub3A_222 = vector.broadcast %sub3A_221 : i32 to vector<1x512xi32>
    %sub3A_223 = arith.subi %and3A_220, %sub3A_222 : vector<1x512xi32>
    %convert_element_type3A_224 = arith.trunci %sub3A_223 : vector<1x512xi32> to vector<1x512xi16>
    %le3A_225 = vector.broadcast %convert_element_type3A_224 : vector<1x512xi16> to vector<1024x512xi16>
    %le3A_226 = arith.cmpi sle, %convert_element_type3A, %le3A_225 : vector<1024x512xi16>
    %broadcast_in_dim3A_227 = vector.broadcast %scan3A : i16 to vector<1024x512xi16>
    %broadcast_in_dim3A_228 = vector.broadcast %scan3A_17 : i16 to vector<1024x512xi16>
    %select_n3A_229 = arith.select %le3A_226, %broadcast_in_dim3A_227, %broadcast_in_dim3A_228 : vector<1024x512xi1>, vector<1024x512xi16>
    %slice3A_230 = vector.extract_strided_slice %select_n3A_229 {offsets = [0, 0], sizes = [512, 512], strides = [1, 1]} : vector<1024x512xi16> to vector<512x512xi16>
    %slice3A_231 = vector.extract_strided_slice %select_n3A_229 {offsets = [512, 0], sizes = [512, 512], strides = [1, 1]} : vector<1024x512xi16> to vector<512x512xi16>
    %add3A_232 = arith.addi %slice3A_230, %slice3A_231 : vector<512x512xi16>
    %slice3A_233 = vector.extract_strided_slice %add3A_232 {offsets = [0, 0], sizes = [256, 512], strides = [1, 1]} : vector<512x512xi16> to vector<256x512xi16>
    %slice3A_234 = vector.extract_strided_slice %add3A_232 {offsets = [256, 0], sizes = [256, 512], strides = [1, 1]} : vector<512x512xi16> to vector<256x512xi16>
    %add3A_235 = arith.addi %slice3A_233, %slice3A_234 : vector<256x512xi16>
    %slice3A_236 = vector.extract_strided_slice %add3A_235 {offsets = [0, 0], sizes = [128, 512], strides = [1, 1]} : vector<256x512xi16> to vector<128x512xi16>
    %slice3A_237 = vector.extract_strided_slice %add3A_235 {offsets = [128, 0], sizes = [128, 512], strides = [1, 1]} : vector<256x512xi16> to vector<128x512xi16>
    %add3A_238 = arith.addi %slice3A_236, %slice3A_237 : vector<128x512xi16>
    %slice3A_239 = vector.extract_strided_slice %add3A_238 {offsets = [0, 0], sizes = [64, 512], strides = [1, 1]} : vector<128x512xi16> to vector<64x512xi16>
    %slice3A_240 = vector.extract_strided_slice %add3A_238 {offsets = [64, 0], sizes = [64, 512], strides = [1, 1]} : vector<128x512xi16> to vector<64x512xi16>
    %add3A_241 = arith.addi %slice3A_239, %slice3A_240 : vector<64x512xi16>
    %slice3A_242 = vector.extract_strided_slice %add3A_241 {offsets = [0, 0], sizes = [32, 512], strides = [1, 1]} : vector<64x512xi16> to vector<32x512xi16>
    %slice3A_243 = vector.extract_strided_slice %add3A_241 {offsets = [32, 0], sizes = [32, 512], strides = [1, 1]} : vector<64x512xi16> to vector<32x512xi16>
    %add3A_244 = arith.addi %slice3A_242, %slice3A_243 : vector<32x512xi16>
    %slice3A_245 = vector.extract_strided_slice %add3A_244 {offsets = [0, 0], sizes = [16, 512], strides = [1, 1]} : vector<32x512xi16> to vector<16x512xi16>
    %slice3A_246 = vector.extract_strided_slice %add3A_244 {offsets = [16, 0], sizes = [16, 512], strides = [1, 1]} : vector<32x512xi16> to vector<16x512xi16>
    %add3A_247 = arith.addi %slice3A_245, %slice3A_246 : vector<16x512xi16>
    %convert_element_type3A_248 = arith.extsi %add3A_247 : vector<16x512xi16> to vector<16x512xi32>
    %reduce_sum3A_249 = arith.constant dense<0> : vector<512xi32>
    %reduce_sum3A_250 = vector.multi_reduction <add>, %convert_element_type3A_248, %reduce_sum3A_249 [0] : vector<16x512xi32> to vector<512xi32>
    %broadcast_in_dim3A_251 = vector.shape_cast %reduce_sum3A_250 : vector<512xi32> to vector<1x512xi32>
    %ge3A_252 = arith.constant 205 : i32
    %ge3A_253 = vector.broadcast %ge3A_252 : i32 to vector<1x512xi32>
    %ge3A_254 = arith.cmpi sge, %broadcast_in_dim3A_215, %ge3A_253 : vector<1x512xi32>
    %select_n3A_255 = arith.select %ge3A_254, %or3A_183, %select_n3A_173 : vector<1x512xi1>, vector<1x512xi32>
    %ge3A_256 = arith.constant 205 : i32
    %ge3A_257 = vector.broadcast %ge3A_256 : i32 to vector<1x512xi32>
    %ge3A_258 = arith.cmpi sge, %broadcast_in_dim3A_251, %ge3A_257 : vector<1x512xi32>
    %select_n3A_259 = arith.select %ge3A_258, %or3A_184, %select_n3A_177 : vector<1x512xi1>, vector<1x512xi32>
    %shift_right_logical3A_260 = arith.constant 1 : i32
    %shift_right_logical3A_261 = vector.broadcast %shift_right_logical3A_260 : i32 to vector<1x512xi32>
    %shift_right_logical3A_262 = arith.shrui %shift_right_logical3A_180, %shift_right_logical3A_261 : vector<1x512xi32>
    %scan3A_263 = arith.constant 10 : i32
    %scan3A_264 = arith.addi %scan3A_18, %scan3A_263 : i32
    %or3A_265 = arith.ori %select_n3A_255, %shift_right_logical3A_262 : vector<1x512xi32>
    %or3A_266 = arith.ori %select_n3A_259, %shift_right_logical3A_262 : vector<1x512xi32>
    %sub3A_267 = arith.constant 32768 : i32
    %sub3A_268 = vector.broadcast %sub3A_267 : i32 to vector<1x512xi32>
    %sub3A_269 = arith.subi %or3A_265, %sub3A_268 : vector<1x512xi32>
    %convert_element_type3A_270 = arith.trunci %sub3A_269 : vector<1x512xi32> to vector<1x512xi16>
    %ge3A_271 = vector.broadcast %convert_element_type3A_270 : vector<1x512xi16> to vector<1024x512xi16>
    %ge3A_272 = arith.cmpi sge, %convert_element_type3A, %ge3A_271 : vector<1024x512xi16>
    %broadcast_in_dim3A_273 = vector.broadcast %scan3A : i16 to vector<1024x512xi16>
    %broadcast_in_dim3A_274 = vector.broadcast %scan3A_17 : i16 to vector<1024x512xi16>
    %select_n3A_275 = arith.select %ge3A_272, %broadcast_in_dim3A_273, %broadcast_in_dim3A_274 : vector<1024x512xi1>, vector<1024x512xi16>
    %slice3A_276 = vector.extract_strided_slice %select_n3A_275 {offsets = [0, 0], sizes = [512, 512], strides = [1, 1]} : vector<1024x512xi16> to vector<512x512xi16>
    %slice3A_277 = vector.extract_strided_slice %select_n3A_275 {offsets = [512, 0], sizes = [512, 512], strides = [1, 1]} : vector<1024x512xi16> to vector<512x512xi16>
    %add3A_278 = arith.addi %slice3A_276, %slice3A_277 : vector<512x512xi16>
    %slice3A_279 = vector.extract_strided_slice %add3A_278 {offsets = [0, 0], sizes = [256, 512], strides = [1, 1]} : vector<512x512xi16> to vector<256x512xi16>
    %slice3A_280 = vector.extract_strided_slice %add3A_278 {offsets = [256, 0], sizes = [256, 512], strides = [1, 1]} : vector<512x512xi16> to vector<256x512xi16>
    %add3A_281 = arith.addi %slice3A_279, %slice3A_280 : vector<256x512xi16>
    %slice3A_282 = vector.extract_strided_slice %add3A_281 {offsets = [0, 0], sizes = [128, 512], strides = [1, 1]} : vector<256x512xi16> to vector<128x512xi16>
    %slice3A_283 = vector.extract_strided_slice %add3A_281 {offsets = [128, 0], sizes = [128, 512], strides = [1, 1]} : vector<256x512xi16> to vector<128x512xi16>
    %add3A_284 = arith.addi %slice3A_282, %slice3A_283 : vector<128x512xi16>
    %slice3A_285 = vector.extract_strided_slice %add3A_284 {offsets = [0, 0], sizes = [64, 512], strides = [1, 1]} : vector<128x512xi16> to vector<64x512xi16>
    %slice3A_286 = vector.extract_strided_slice %add3A_284 {offsets = [64, 0], sizes = [64, 512], strides = [1, 1]} : vector<128x512xi16> to vector<64x512xi16>
    %add3A_287 = arith.addi %slice3A_285, %slice3A_286 : vector<64x512xi16>
    %slice3A_288 = vector.extract_strided_slice %add3A_287 {offsets = [0, 0], sizes = [32, 512], strides = [1, 1]} : vector<64x512xi16> to vector<32x512xi16>
    %slice3A_289 = vector.extract_strided_slice %add3A_287 {offsets = [32, 0], sizes = [32, 512], strides = [1, 1]} : vector<64x512xi16> to vector<32x512xi16>
    %add3A_290 = arith.addi %slice3A_288, %slice3A_289 : vector<32x512xi16>
    %slice3A_291 = vector.extract_strided_slice %add3A_290 {offsets = [0, 0], sizes = [16, 512], strides = [1, 1]} : vector<32x512xi16> to vector<16x512xi16>
    %slice3A_292 = vector.extract_strided_slice %add3A_290 {offsets = [16, 0], sizes = [16, 512], strides = [1, 1]} : vector<32x512xi16> to vector<16x512xi16>
    %add3A_293 = arith.addi %slice3A_291, %slice3A_292 : vector<16x512xi16>
    %convert_element_type3A_294 = arith.extsi %add3A_293 : vector<16x512xi16> to vector<16x512xi32>
    %reduce_sum3A_295 = arith.constant dense<0> : vector<512xi32>
    %reduce_sum3A_296 = vector.multi_reduction <add>, %convert_element_type3A_294, %reduce_sum3A_295 [0] : vector<16x512xi32> to vector<512xi32>
    %broadcast_in_dim3A_297 = vector.shape_cast %reduce_sum3A_296 : vector<512xi32> to vector<1x512xi32>
    %not3A_298 = arith.constant dense<-1> : vector<1x512xi32>
    %not3A_299 = arith.xori %or3A_266, %not3A_298 : vector<1x512xi32>
    %and3A_300 = arith.constant 65535 : i32
    %and3A_301 = vector.broadcast %and3A_300 : i32 to vector<1x512xi32>
    %and3A_302 = arith.andi %not3A_299, %and3A_301 : vector<1x512xi32>
    %sub3A_303 = arith.constant 32768 : i32
    %sub3A_304 = vector.broadcast %sub3A_303 : i32 to vector<1x512xi32>
    %sub3A_305 = arith.subi %and3A_302, %sub3A_304 : vector<1x512xi32>
    %convert_element_type3A_306 = arith.trunci %sub3A_305 : vector<1x512xi32> to vector<1x512xi16>
    %le3A_307 = vector.broadcast %convert_element_type3A_306 : vector<1x512xi16> to vector<1024x512xi16>
    %le3A_308 = arith.cmpi sle, %convert_element_type3A, %le3A_307 : vector<1024x512xi16>
    %broadcast_in_dim3A_309 = vector.broadcast %scan3A : i16 to vector<1024x512xi16>
    %broadcast_in_dim3A_310 = vector.broadcast %scan3A_17 : i16 to vector<1024x512xi16>
    %select_n3A_311 = arith.select %le3A_308, %broadcast_in_dim3A_309, %broadcast_in_dim3A_310 : vector<1024x512xi1>, vector<1024x512xi16>
    %slice3A_312 = vector.extract_strided_slice %select_n3A_311 {offsets = [0, 0], sizes = [512, 512], strides = [1, 1]} : vector<1024x512xi16> to vector<512x512xi16>
    %slice3A_313 = vector.extract_strided_slice %select_n3A_311 {offsets = [512, 0], sizes = [512, 512], strides = [1, 1]} : vector<1024x512xi16> to vector<512x512xi16>
    %add3A_314 = arith.addi %slice3A_312, %slice3A_313 : vector<512x512xi16>
    %slice3A_315 = vector.extract_strided_slice %add3A_314 {offsets = [0, 0], sizes = [256, 512], strides = [1, 1]} : vector<512x512xi16> to vector<256x512xi16>
    %slice3A_316 = vector.extract_strided_slice %add3A_314 {offsets = [256, 0], sizes = [256, 512], strides = [1, 1]} : vector<512x512xi16> to vector<256x512xi16>
    %add3A_317 = arith.addi %slice3A_315, %slice3A_316 : vector<256x512xi16>
    %slice3A_318 = vector.extract_strided_slice %add3A_317 {offsets = [0, 0], sizes = [128, 512], strides = [1, 1]} : vector<256x512xi16> to vector<128x512xi16>
    %slice3A_319 = vector.extract_strided_slice %add3A_317 {offsets = [128, 0], sizes = [128, 512], strides = [1, 1]} : vector<256x512xi16> to vector<128x512xi16>
    %add3A_320 = arith.addi %slice3A_318, %slice3A_319 : vector<128x512xi16>
    %slice3A_321 = vector.extract_strided_slice %add3A_320 {offsets = [0, 0], sizes = [64, 512], strides = [1, 1]} : vector<128x512xi16> to vector<64x512xi16>
    %slice3A_322 = vector.extract_strided_slice %add3A_320 {offsets = [64, 0], sizes = [64, 512], strides = [1, 1]} : vector<128x512xi16> to vector<64x512xi16>
    %add3A_323 = arith.addi %slice3A_321, %slice3A_322 : vector<64x512xi16>
    %slice3A_324 = vector.extract_strided_slice %add3A_323 {offsets = [0, 0], sizes = [32, 512], strides = [1, 1]} : vector<64x512xi16> to vector<32x512xi16>
    %slice3A_325 = vector.extract_strided_slice %add3A_323 {offsets = [32, 0], sizes = [32, 512], strides = [1, 1]} : vector<64x512xi16> to vector<32x512xi16>
    %add3A_326 = arith.addi %slice3A_324, %slice3A_325 : vector<32x512xi16>
    %slice3A_327 = vector.extract_strided_slice %add3A_326 {offsets = [0, 0], sizes = [16, 512], strides = [1, 1]} : vector<32x512xi16> to vector<16x512xi16>
    %slice3A_328 = vector.extract_strided_slice %add3A_326 {offsets = [16, 0], sizes = [16, 512], strides = [1, 1]} : vector<32x512xi16> to vector<16x512xi16>
    %add3A_329 = arith.addi %slice3A_327, %slice3A_328 : vector<16x512xi16>
    %convert_element_type3A_330 = arith.extsi %add3A_329 : vector<16x512xi16> to vector<16x512xi32>
    %reduce_sum3A_331 = arith.constant dense<0> : vector<512xi32>
    %reduce_sum3A_332 = vector.multi_reduction <add>, %convert_element_type3A_330, %reduce_sum3A_331 [0] : vector<16x512xi32> to vector<512xi32>
    %broadcast_in_dim3A_333 = vector.shape_cast %reduce_sum3A_332 : vector<512xi32> to vector<1x512xi32>
    %ge3A_334 = arith.constant 205 : i32
    %ge3A_335 = vector.broadcast %ge3A_334 : i32 to vector<1x512xi32>
    %ge3A_336 = arith.cmpi sge, %broadcast_in_dim3A_297, %ge3A_335 : vector<1x512xi32>
    %select_n3A_337 = arith.select %ge3A_336, %or3A_265, %select_n3A_255 : vector<1x512xi1>, vector<1x512xi32>
    %ge3A_338 = arith.constant 205 : i32
    %ge3A_339 = vector.broadcast %ge3A_338 : i32 to vector<1x512xi32>
    %ge3A_340 = arith.cmpi sge, %broadcast_in_dim3A_333, %ge3A_339 : vector<1x512xi32>
    %select_n3A_341 = arith.select %ge3A_340, %or3A_266, %select_n3A_259 : vector<1x512xi1>, vector<1x512xi32>
    %shift_right_logical3A_342 = arith.constant 1 : i32
    %shift_right_logical3A_343 = vector.broadcast %shift_right_logical3A_342 : i32 to vector<1x512xi32>
    %shift_right_logical3A_344 = arith.shrui %shift_right_logical3A_262, %shift_right_logical3A_343 : vector<1x512xi32>
    %scan3A_345 = arith.constant 11 : i32
    %scan3A_346 = arith.addi %scan3A_18, %scan3A_345 : i32
    %or3A_347 = arith.ori %select_n3A_337, %shift_right_logical3A_344 : vector<1x512xi32>
    %or3A_348 = arith.ori %select_n3A_341, %shift_right_logical3A_344 : vector<1x512xi32>
    %sub3A_349 = arith.constant 32768 : i32
    %sub3A_350 = vector.broadcast %sub3A_349 : i32 to vector<1x512xi32>
    %sub3A_351 = arith.subi %or3A_347, %sub3A_350 : vector<1x512xi32>
    %convert_element_type3A_352 = arith.trunci %sub3A_351 : vector<1x512xi32> to vector<1x512xi16>
    %ge3A_353 = vector.broadcast %convert_element_type3A_352 : vector<1x512xi16> to vector<1024x512xi16>
    %ge3A_354 = arith.cmpi sge, %convert_element_type3A, %ge3A_353 : vector<1024x512xi16>
    %broadcast_in_dim3A_355 = vector.broadcast %scan3A : i16 to vector<1024x512xi16>
    %broadcast_in_dim3A_356 = vector.broadcast %scan3A_17 : i16 to vector<1024x512xi16>
    %select_n3A_357 = arith.select %ge3A_354, %broadcast_in_dim3A_355, %broadcast_in_dim3A_356 : vector<1024x512xi1>, vector<1024x512xi16>
    %slice3A_358 = vector.extract_strided_slice %select_n3A_357 {offsets = [0, 0], sizes = [512, 512], strides = [1, 1]} : vector<1024x512xi16> to vector<512x512xi16>
    %slice3A_359 = vector.extract_strided_slice %select_n3A_357 {offsets = [512, 0], sizes = [512, 512], strides = [1, 1]} : vector<1024x512xi16> to vector<512x512xi16>
    %add3A_360 = arith.addi %slice3A_358, %slice3A_359 : vector<512x512xi16>
    %slice3A_361 = vector.extract_strided_slice %add3A_360 {offsets = [0, 0], sizes = [256, 512], strides = [1, 1]} : vector<512x512xi16> to vector<256x512xi16>
    %slice3A_362 = vector.extract_strided_slice %add3A_360 {offsets = [256, 0], sizes = [256, 512], strides = [1, 1]} : vector<512x512xi16> to vector<256x512xi16>
    %add3A_363 = arith.addi %slice3A_361, %slice3A_362 : vector<256x512xi16>
    %slice3A_364 = vector.extract_strided_slice %add3A_363 {offsets = [0, 0], sizes = [128, 512], strides = [1, 1]} : vector<256x512xi16> to vector<128x512xi16>
    %slice3A_365 = vector.extract_strided_slice %add3A_363 {offsets = [128, 0], sizes = [128, 512], strides = [1, 1]} : vector<256x512xi16> to vector<128x512xi16>
    %add3A_366 = arith.addi %slice3A_364, %slice3A_365 : vector<128x512xi16>
    %slice3A_367 = vector.extract_strided_slice %add3A_366 {offsets = [0, 0], sizes = [64, 512], strides = [1, 1]} : vector<128x512xi16> to vector<64x512xi16>
    %slice3A_368 = vector.extract_strided_slice %add3A_366 {offsets = [64, 0], sizes = [64, 512], strides = [1, 1]} : vector<128x512xi16> to vector<64x512xi16>
    %add3A_369 = arith.addi %slice3A_367, %slice3A_368 : vector<64x512xi16>
    %slice3A_370 = vector.extract_strided_slice %add3A_369 {offsets = [0, 0], sizes = [32, 512], strides = [1, 1]} : vector<64x512xi16> to vector<32x512xi16>
    %slice3A_371 = vector.extract_strided_slice %add3A_369 {offsets = [32, 0], sizes = [32, 512], strides = [1, 1]} : vector<64x512xi16> to vector<32x512xi16>
    %add3A_372 = arith.addi %slice3A_370, %slice3A_371 : vector<32x512xi16>
    %slice3A_373 = vector.extract_strided_slice %add3A_372 {offsets = [0, 0], sizes = [16, 512], strides = [1, 1]} : vector<32x512xi16> to vector<16x512xi16>
    %slice3A_374 = vector.extract_strided_slice %add3A_372 {offsets = [16, 0], sizes = [16, 512], strides = [1, 1]} : vector<32x512xi16> to vector<16x512xi16>
    %add3A_375 = arith.addi %slice3A_373, %slice3A_374 : vector<16x512xi16>
    %convert_element_type3A_376 = arith.extsi %add3A_375 : vector<16x512xi16> to vector<16x512xi32>
    %reduce_sum3A_377 = arith.constant dense<0> : vector<512xi32>
    %reduce_sum3A_378 = vector.multi_reduction <add>, %convert_element_type3A_376, %reduce_sum3A_377 [0] : vector<16x512xi32> to vector<512xi32>
    %broadcast_in_dim3A_379 = vector.shape_cast %reduce_sum3A_378 : vector<512xi32> to vector<1x512xi32>
    %not3A_380 = arith.constant dense<-1> : vector<1x512xi32>
    %not3A_381 = arith.xori %or3A_348, %not3A_380 : vector<1x512xi32>
    %and3A_382 = arith.constant 65535 : i32
    %and3A_383 = vector.broadcast %and3A_382 : i32 to vector<1x512xi32>
    %and3A_384 = arith.andi %not3A_381, %and3A_383 : vector<1x512xi32>
    %sub3A_385 = arith.constant 32768 : i32
    %sub3A_386 = vector.broadcast %sub3A_385 : i32 to vector<1x512xi32>
    %sub3A_387 = arith.subi %and3A_384, %sub3A_386 : vector<1x512xi32>
    %convert_element_type3A_388 = arith.trunci %sub3A_387 : vector<1x512xi32> to vector<1x512xi16>
    %le3A_389 = vector.broadcast %convert_element_type3A_388 : vector<1x512xi16> to vector<1024x512xi16>
    %le3A_390 = arith.cmpi sle, %convert_element_type3A, %le3A_389 : vector<1024x512xi16>
    %broadcast_in_dim3A_391 = vector.broadcast %scan3A : i16 to vector<1024x512xi16>
    %broadcast_in_dim3A_392 = vector.broadcast %scan3A_17 : i16 to vector<1024x512xi16>
    %select_n3A_393 = arith.select %le3A_390, %broadcast_in_dim3A_391, %broadcast_in_dim3A_392 : vector<1024x512xi1>, vector<1024x512xi16>
    %slice3A_394 = vector.extract_strided_slice %select_n3A_393 {offsets = [0, 0], sizes = [512, 512], strides = [1, 1]} : vector<1024x512xi16> to vector<512x512xi16>
    %slice3A_395 = vector.extract_strided_slice %select_n3A_393 {offsets = [512, 0], sizes = [512, 512], strides = [1, 1]} : vector<1024x512xi16> to vector<512x512xi16>
    %add3A_396 = arith.addi %slice3A_394, %slice3A_395 : vector<512x512xi16>
    %slice3A_397 = vector.extract_strided_slice %add3A_396 {offsets = [0, 0], sizes = [256, 512], strides = [1, 1]} : vector<512x512xi16> to vector<256x512xi16>
    %slice3A_398 = vector.extract_strided_slice %add3A_396 {offsets = [256, 0], sizes = [256, 512], strides = [1, 1]} : vector<512x512xi16> to vector<256x512xi16>
    %add3A_399 = arith.addi %slice3A_397, %slice3A_398 : vector<256x512xi16>
    %slice3A_400 = vector.extract_strided_slice %add3A_399 {offsets = [0, 0], sizes = [128, 512], strides = [1, 1]} : vector<256x512xi16> to vector<128x512xi16>
    %slice3A_401 = vector.extract_strided_slice %add3A_399 {offsets = [128, 0], sizes = [128, 512], strides = [1, 1]} : vector<256x512xi16> to vector<128x512xi16>
    %add3A_402 = arith.addi %slice3A_400, %slice3A_401 : vector<128x512xi16>
    %slice3A_403 = vector.extract_strided_slice %add3A_402 {offsets = [0, 0], sizes = [64, 512], strides = [1, 1]} : vector<128x512xi16> to vector<64x512xi16>
    %slice3A_404 = vector.extract_strided_slice %add3A_402 {offsets = [64, 0], sizes = [64, 512], strides = [1, 1]} : vector<128x512xi16> to vector<64x512xi16>
    %add3A_405 = arith.addi %slice3A_403, %slice3A_404 : vector<64x512xi16>
    %slice3A_406 = vector.extract_strided_slice %add3A_405 {offsets = [0, 0], sizes = [32, 512], strides = [1, 1]} : vector<64x512xi16> to vector<32x512xi16>
    %slice3A_407 = vector.extract_strided_slice %add3A_405 {offsets = [32, 0], sizes = [32, 512], strides = [1, 1]} : vector<64x512xi16> to vector<32x512xi16>
    %add3A_408 = arith.addi %slice3A_406, %slice3A_407 : vector<32x512xi16>
    %slice3A_409 = vector.extract_strided_slice %add3A_408 {offsets = [0, 0], sizes = [16, 512], strides = [1, 1]} : vector<32x512xi16> to vector<16x512xi16>
    %slice3A_410 = vector.extract_strided_slice %add3A_408 {offsets = [16, 0], sizes = [16, 512], strides = [1, 1]} : vector<32x512xi16> to vector<16x512xi16>
    %add3A_411 = arith.addi %slice3A_409, %slice3A_410 : vector<16x512xi16>
    %convert_element_type3A_412 = arith.extsi %add3A_411 : vector<16x512xi16> to vector<16x512xi32>
    %reduce_sum3A_413 = arith.constant dense<0> : vector<512xi32>
    %reduce_sum3A_414 = vector.multi_reduction <add>, %convert_element_type3A_412, %reduce_sum3A_413 [0] : vector<16x512xi32> to vector<512xi32>
    %broadcast_in_dim3A_415 = vector.shape_cast %reduce_sum3A_414 : vector<512xi32> to vector<1x512xi32>
    %ge3A_416 = arith.constant 205 : i32
    %ge3A_417 = vector.broadcast %ge3A_416 : i32 to vector<1x512xi32>
    %ge3A_418 = arith.cmpi sge, %broadcast_in_dim3A_379, %ge3A_417 : vector<1x512xi32>
    %select_n3A_419 = arith.select %ge3A_418, %or3A_347, %select_n3A_337 : vector<1x512xi1>, vector<1x512xi32>
    %ge3A_420 = arith.constant 205 : i32
    %ge3A_421 = vector.broadcast %ge3A_420 : i32 to vector<1x512xi32>
    %ge3A_422 = arith.cmpi sge, %broadcast_in_dim3A_415, %ge3A_421 : vector<1x512xi32>
    %select_n3A_423 = arith.select %ge3A_422, %or3A_348, %select_n3A_341 : vector<1x512xi1>, vector<1x512xi32>
    %shift_right_logical3A_424 = arith.constant 1 : i32
    %shift_right_logical3A_425 = vector.broadcast %shift_right_logical3A_424 : i32 to vector<1x512xi32>
    %shift_right_logical3A_426 = arith.shrui %shift_right_logical3A_344, %shift_right_logical3A_425 : vector<1x512xi32>
    %scan3A_427 = arith.constant 12 : i32
    %scan3A_428 = arith.addi %scan3A_18, %scan3A_427 : i32
    %or3A_429 = arith.ori %select_n3A_419, %shift_right_logical3A_426 : vector<1x512xi32>
    %or3A_430 = arith.ori %select_n3A_423, %shift_right_logical3A_426 : vector<1x512xi32>
    %sub3A_431 = arith.constant 32768 : i32
    %sub3A_432 = vector.broadcast %sub3A_431 : i32 to vector<1x512xi32>
    %sub3A_433 = arith.subi %or3A_429, %sub3A_432 : vector<1x512xi32>
    %convert_element_type3A_434 = arith.trunci %sub3A_433 : vector<1x512xi32> to vector<1x512xi16>
    %ge3A_435 = vector.broadcast %convert_element_type3A_434 : vector<1x512xi16> to vector<1024x512xi16>
    %ge3A_436 = arith.cmpi sge, %convert_element_type3A, %ge3A_435 : vector<1024x512xi16>
    %broadcast_in_dim3A_437 = vector.broadcast %scan3A : i16 to vector<1024x512xi16>
    %broadcast_in_dim3A_438 = vector.broadcast %scan3A_17 : i16 to vector<1024x512xi16>
    %select_n3A_439 = arith.select %ge3A_436, %broadcast_in_dim3A_437, %broadcast_in_dim3A_438 : vector<1024x512xi1>, vector<1024x512xi16>
    %slice3A_440 = vector.extract_strided_slice %select_n3A_439 {offsets = [0, 0], sizes = [512, 512], strides = [1, 1]} : vector<1024x512xi16> to vector<512x512xi16>
    %slice3A_441 = vector.extract_strided_slice %select_n3A_439 {offsets = [512, 0], sizes = [512, 512], strides = [1, 1]} : vector<1024x512xi16> to vector<512x512xi16>
    %add3A_442 = arith.addi %slice3A_440, %slice3A_441 : vector<512x512xi16>
    %slice3A_443 = vector.extract_strided_slice %add3A_442 {offsets = [0, 0], sizes = [256, 512], strides = [1, 1]} : vector<512x512xi16> to vector<256x512xi16>
    %slice3A_444 = vector.extract_strided_slice %add3A_442 {offsets = [256, 0], sizes = [256, 512], strides = [1, 1]} : vector<512x512xi16> to vector<256x512xi16>
    %add3A_445 = arith.addi %slice3A_443, %slice3A_444 : vector<256x512xi16>
    %slice3A_446 = vector.extract_strided_slice %add3A_445 {offsets = [0, 0], sizes = [128, 512], strides = [1, 1]} : vector<256x512xi16> to vector<128x512xi16>
    %slice3A_447 = vector.extract_strided_slice %add3A_445 {offsets = [128, 0], sizes = [128, 512], strides = [1, 1]} : vector<256x512xi16> to vector<128x512xi16>
    %add3A_448 = arith.addi %slice3A_446, %slice3A_447 : vector<128x512xi16>
    %slice3A_449 = vector.extract_strided_slice %add3A_448 {offsets = [0, 0], sizes = [64, 512], strides = [1, 1]} : vector<128x512xi16> to vector<64x512xi16>
    %slice3A_450 = vector.extract_strided_slice %add3A_448 {offsets = [64, 0], sizes = [64, 512], strides = [1, 1]} : vector<128x512xi16> to vector<64x512xi16>
    %add3A_451 = arith.addi %slice3A_449, %slice3A_450 : vector<64x512xi16>
    %slice3A_452 = vector.extract_strided_slice %add3A_451 {offsets = [0, 0], sizes = [32, 512], strides = [1, 1]} : vector<64x512xi16> to vector<32x512xi16>
    %slice3A_453 = vector.extract_strided_slice %add3A_451 {offsets = [32, 0], sizes = [32, 512], strides = [1, 1]} : vector<64x512xi16> to vector<32x512xi16>
    %add3A_454 = arith.addi %slice3A_452, %slice3A_453 : vector<32x512xi16>
    %slice3A_455 = vector.extract_strided_slice %add3A_454 {offsets = [0, 0], sizes = [16, 512], strides = [1, 1]} : vector<32x512xi16> to vector<16x512xi16>
    %slice3A_456 = vector.extract_strided_slice %add3A_454 {offsets = [16, 0], sizes = [16, 512], strides = [1, 1]} : vector<32x512xi16> to vector<16x512xi16>
    %add3A_457 = arith.addi %slice3A_455, %slice3A_456 : vector<16x512xi16>
    %convert_element_type3A_458 = arith.extsi %add3A_457 : vector<16x512xi16> to vector<16x512xi32>
    %reduce_sum3A_459 = arith.constant dense<0> : vector<512xi32>
    %reduce_sum3A_460 = vector.multi_reduction <add>, %convert_element_type3A_458, %reduce_sum3A_459 [0] : vector<16x512xi32> to vector<512xi32>
    %broadcast_in_dim3A_461 = vector.shape_cast %reduce_sum3A_460 : vector<512xi32> to vector<1x512xi32>
    %not3A_462 = arith.constant dense<-1> : vector<1x512xi32>
    %not3A_463 = arith.xori %or3A_430, %not3A_462 : vector<1x512xi32>
    %and3A_464 = arith.constant 65535 : i32
    %and3A_465 = vector.broadcast %and3A_464 : i32 to vector<1x512xi32>
    %and3A_466 = arith.andi %not3A_463, %and3A_465 : vector<1x512xi32>
    %sub3A_467 = arith.constant 32768 : i32
    %sub3A_468 = vector.broadcast %sub3A_467 : i32 to vector<1x512xi32>
    %sub3A_469 = arith.subi %and3A_466, %sub3A_468 : vector<1x512xi32>
    %convert_element_type3A_470 = arith.trunci %sub3A_469 : vector<1x512xi32> to vector<1x512xi16>
    %le3A_471 = vector.broadcast %convert_element_type3A_470 : vector<1x512xi16> to vector<1024x512xi16>
    %le3A_472 = arith.cmpi sle, %convert_element_type3A, %le3A_471 : vector<1024x512xi16>
    %broadcast_in_dim3A_473 = vector.broadcast %scan3A : i16 to vector<1024x512xi16>
    %broadcast_in_dim3A_474 = vector.broadcast %scan3A_17 : i16 to vector<1024x512xi16>
    %select_n3A_475 = arith.select %le3A_472, %broadcast_in_dim3A_473, %broadcast_in_dim3A_474 : vector<1024x512xi1>, vector<1024x512xi16>
    %slice3A_476 = vector.extract_strided_slice %select_n3A_475 {offsets = [0, 0], sizes = [512, 512], strides = [1, 1]} : vector<1024x512xi16> to vector<512x512xi16>
    %slice3A_477 = vector.extract_strided_slice %select_n3A_475 {offsets = [512, 0], sizes = [512, 512], strides = [1, 1]} : vector<1024x512xi16> to vector<512x512xi16>
    %add3A_478 = arith.addi %slice3A_476, %slice3A_477 : vector<512x512xi16>
    %slice3A_479 = vector.extract_strided_slice %add3A_478 {offsets = [0, 0], sizes = [256, 512], strides = [1, 1]} : vector<512x512xi16> to vector<256x512xi16>
    %slice3A_480 = vector.extract_strided_slice %add3A_478 {offsets = [256, 0], sizes = [256, 512], strides = [1, 1]} : vector<512x512xi16> to vector<256x512xi16>
    %add3A_481 = arith.addi %slice3A_479, %slice3A_480 : vector<256x512xi16>
    %slice3A_482 = vector.extract_strided_slice %add3A_481 {offsets = [0, 0], sizes = [128, 512], strides = [1, 1]} : vector<256x512xi16> to vector<128x512xi16>
    %slice3A_483 = vector.extract_strided_slice %add3A_481 {offsets = [128, 0], sizes = [128, 512], strides = [1, 1]} : vector<256x512xi16> to vector<128x512xi16>
    %add3A_484 = arith.addi %slice3A_482, %slice3A_483 : vector<128x512xi16>
    %slice3A_485 = vector.extract_strided_slice %add3A_484 {offsets = [0, 0], sizes = [64, 512], strides = [1, 1]} : vector<128x512xi16> to vector<64x512xi16>
    %slice3A_486 = vector.extract_strided_slice %add3A_484 {offsets = [64, 0], sizes = [64, 512], strides = [1, 1]} : vector<128x512xi16> to vector<64x512xi16>
    %add3A_487 = arith.addi %slice3A_485, %slice3A_486 : vector<64x512xi16>
    %slice3A_488 = vector.extract_strided_slice %add3A_487 {offsets = [0, 0], sizes = [32, 512], strides = [1, 1]} : vector<64x512xi16> to vector<32x512xi16>
    %slice3A_489 = vector.extract_strided_slice %add3A_487 {offsets = [32, 0], sizes = [32, 512], strides = [1, 1]} : vector<64x512xi16> to vector<32x512xi16>
    %add3A_490 = arith.addi %slice3A_488, %slice3A_489 : vector<32x512xi16>
    %slice3A_491 = vector.extract_strided_slice %add3A_490 {offsets = [0, 0], sizes = [16, 512], strides = [1, 1]} : vector<32x512xi16> to vector<16x512xi16>
    %slice3A_492 = vector.extract_strided_slice %add3A_490 {offsets = [16, 0], sizes = [16, 512], strides = [1, 1]} : vector<32x512xi16> to vector<16x512xi16>
    %add3A_493 = arith.addi %slice3A_491, %slice3A_492 : vector<16x512xi16>
    %convert_element_type3A_494 = arith.extsi %add3A_493 : vector<16x512xi16> to vector<16x512xi32>
    %reduce_sum3A_495 = arith.constant dense<0> : vector<512xi32>
    %reduce_sum3A_496 = vector.multi_reduction <add>, %convert_element_type3A_494, %reduce_sum3A_495 [0] : vector<16x512xi32> to vector<512xi32>
    %broadcast_in_dim3A_497 = vector.shape_cast %reduce_sum3A_496 : vector<512xi32> to vector<1x512xi32>
    %ge3A_498 = arith.constant 205 : i32
    %ge3A_499 = vector.broadcast %ge3A_498 : i32 to vector<1x512xi32>
    %ge3A_500 = arith.cmpi sge, %broadcast_in_dim3A_461, %ge3A_499 : vector<1x512xi32>
    %select_n3A_501 = arith.select %ge3A_500, %or3A_429, %select_n3A_419 : vector<1x512xi1>, vector<1x512xi32>
    %ge3A_502 = arith.constant 205 : i32
    %ge3A_503 = vector.broadcast %ge3A_502 : i32 to vector<1x512xi32>
    %ge3A_504 = arith.cmpi sge, %broadcast_in_dim3A_497, %ge3A_503 : vector<1x512xi32>
    %select_n3A_505 = arith.select %ge3A_504, %or3A_430, %select_n3A_423 : vector<1x512xi1>, vector<1x512xi32>
    %shift_right_logical3A_506 = arith.constant 1 : i32
    %shift_right_logical3A_507 = vector.broadcast %shift_right_logical3A_506 : i32 to vector<1x512xi32>
    %shift_right_logical3A_508 = arith.shrui %shift_right_logical3A_426, %shift_right_logical3A_507 : vector<1x512xi32>
    %sub3A_509 = arith.constant 32768 : i32
    %sub3A_510 = vector.broadcast %sub3A_509 : i32 to vector<1x512xi32>
    %sub3A_511 = arith.subi %select_n3A_501, %sub3A_510 : vector<1x512xi32>
    %convert_element_type3A_512 = arith.trunci %sub3A_511 : vector<1x512xi32> to vector<1x512xi16>
    %gt3A = vector.broadcast %convert_element_type3A_512 : vector<1x512xi16> to vector<1024x512xi16>
    %gt3A_513 = arith.cmpi sgt, %convert_element_type3A, %gt3A : vector<1024x512xi16>
    %jit3A = arith.constant 1 : i16
    %jit3A_514 = arith.constant 0 : i16
    %broadcast_in_dim3A_515 = vector.broadcast %jit3A : i16 to vector<1024x512xi16>
    %broadcast_in_dim3A_516 = vector.broadcast %jit3A_514 : i16 to vector<1024x512xi16>
    %select_n3A_517 = arith.select %gt3A_513, %broadcast_in_dim3A_515, %broadcast_in_dim3A_516 : vector<1024x512xi1>, vector<1024x512xi16>
    %slice3A_518 = vector.extract_strided_slice %select_n3A_517 {offsets = [0, 0], sizes = [512, 512], strides = [1, 1]} : vector<1024x512xi16> to vector<512x512xi16>
    %slice3A_519 = vector.extract_strided_slice %select_n3A_517 {offsets = [512, 0], sizes = [512, 512], strides = [1, 1]} : vector<1024x512xi16> to vector<512x512xi16>
    %add3A_520 = arith.addi %slice3A_518, %slice3A_519 : vector<512x512xi16>
    %slice3A_521 = vector.extract_strided_slice %add3A_520 {offsets = [0, 0], sizes = [256, 512], strides = [1, 1]} : vector<512x512xi16> to vector<256x512xi16>
    %slice3A_522 = vector.extract_strided_slice %add3A_520 {offsets = [256, 0], sizes = [256, 512], strides = [1, 1]} : vector<512x512xi16> to vector<256x512xi16>
    %add3A_523 = arith.addi %slice3A_521, %slice3A_522 : vector<256x512xi16>
    %slice3A_524 = vector.extract_strided_slice %add3A_523 {offsets = [0, 0], sizes = [128, 512], strides = [1, 1]} : vector<256x512xi16> to vector<128x512xi16>
    %slice3A_525 = vector.extract_strided_slice %add3A_523 {offsets = [128, 0], sizes = [128, 512], strides = [1, 1]} : vector<256x512xi16> to vector<128x512xi16>
    %add3A_526 = arith.addi %slice3A_524, %slice3A_525 : vector<128x512xi16>
    %slice3A_527 = vector.extract_strided_slice %add3A_526 {offsets = [0, 0], sizes = [64, 512], strides = [1, 1]} : vector<128x512xi16> to vector<64x512xi16>
    %slice3A_528 = vector.extract_strided_slice %add3A_526 {offsets = [64, 0], sizes = [64, 512], strides = [1, 1]} : vector<128x512xi16> to vector<64x512xi16>
    %add3A_529 = arith.addi %slice3A_527, %slice3A_528 : vector<64x512xi16>
    %slice3A_530 = vector.extract_strided_slice %add3A_529 {offsets = [0, 0], sizes = [32, 512], strides = [1, 1]} : vector<64x512xi16> to vector<32x512xi16>
    %slice3A_531 = vector.extract_strided_slice %add3A_529 {offsets = [32, 0], sizes = [32, 512], strides = [1, 1]} : vector<64x512xi16> to vector<32x512xi16>
    %add3A_532 = arith.addi %slice3A_530, %slice3A_531 : vector<32x512xi16>
    %slice3A_533 = vector.extract_strided_slice %add3A_532 {offsets = [0, 0], sizes = [16, 512], strides = [1, 1]} : vector<32x512xi16> to vector<16x512xi16>
    %slice3A_534 = vector.extract_strided_slice %add3A_532 {offsets = [16, 0], sizes = [16, 512], strides = [1, 1]} : vector<32x512xi16> to vector<16x512xi16>
    %add3A_535 = arith.addi %slice3A_533, %slice3A_534 : vector<16x512xi16>
    %convert_element_type3A_536 = arith.extsi %add3A_535 : vector<16x512xi16> to vector<16x512xi32>
    %reduce_sum3A_537 = arith.constant dense<0> : vector<512xi32>
    %reduce_sum3A_538 = vector.multi_reduction <add>, %convert_element_type3A_536, %reduce_sum3A_537 [0] : vector<16x512xi32> to vector<512xi32>
    %broadcast_in_dim3A_539 = vector.shape_cast %reduce_sum3A_538 : vector<512xi32> to vector<1x512xi32>
    %convert_element_type3A_540 = arith.sitofp %broadcast_in_dim3A_539 : vector<1x512xi32> to vector<1x512xf32>
    %jit3A_541 = arith.constant 0.000000e+00 : f32
    %broadcast_in_dim3A_542 = vector.broadcast %jit3A_541 : f32 to vector<1024x512xf32>
    %select_n3A_543 = arith.select %gt3A_513, %get3A_1, %broadcast_in_dim3A_542 : vector<1024x512xi1>, vector<1024x512xf32>
    %reduce_sum3A_544 = arith.constant dense<0.000000e+00> : vector<512xf32>
    %reduce_sum3A_545 = vector.multi_reduction <add>, %select_n3A_543, %reduce_sum3A_544 [0] : vector<1024x512xf32> to vector<512xf32>
    %broadcast_in_dim3A_546 = vector.shape_cast %reduce_sum3A_545 : vector<512xf32> to vector<1x512xf32>
    %shift_left3A = arith.constant 16 : i32
    %shift_left3A_547 = vector.broadcast %shift_left3A : i32 to vector<1x512xi32>
    %shift_left3A_548 = arith.shli %select_n3A_501, %shift_left3A_547 : vector<1x512xi32>
    %and3A_549 = arith.constant -2147483648 : i32
    %and3A_550 = vector.broadcast %and3A_549 : i32 to vector<1x512xi32>
    %and3A_551 = arith.andi %shift_left3A_548, %and3A_550 : vector<1x512xi32>
    %ne3A_552 = arith.constant 0 : i32
    %ne3A_553 = vector.broadcast %ne3A_552 : i32 to vector<1x512xi32>
    %ne3A_554 = arith.cmpi ne, %and3A_551, %ne3A_553 : vector<1x512xi32>
    %xor3A = arith.constant -2147483648 : i32
    %xor3A_555 = vector.broadcast %xor3A : i32 to vector<1x512xi32>
    %xor3A_556 = arith.xori %shift_left3A_548, %xor3A_555 : vector<1x512xi32>
    %not3A_557 = arith.constant dense<-1> : vector<1x512xi32>
    %not3A_558 = arith.xori %shift_left3A_548, %not3A_557 : vector<1x512xi32>
    %select_n3A_559 = arith.select %ne3A_554, %xor3A_556, %not3A_558 : vector<1x512xi1>, vector<1x512xi32>
    %bitcast_convert_type3A_560 = tpu.bitcast %select_n3A_559 : vector<1x512xi32> -> vector<1x512xf32>
    %sub3A_561 = arith.constant 2.050000e+02 : f32
    %sub3A_562 = vector.broadcast %sub3A_561 : f32 to vector<1x512xf32>
    %sub3A_563 = arith.subf %sub3A_562, %convert_element_type3A_540 : vector<1x512xf32>
    %mul3A = arith.mulf %sub3A_563, %bitcast_convert_type3A_560 : vector<1x512xf32>
    %add3A_564 = arith.addf %broadcast_in_dim3A_546, %mul3A : vector<1x512xf32>
    %not3A_565 = arith.constant dense<-1> : vector<1x512xi32>
    %not3A_566 = arith.xori %select_n3A_505, %not3A_565 : vector<1x512xi32>
    %and3A_567 = arith.constant 65535 : i32
    %and3A_568 = vector.broadcast %and3A_567 : i32 to vector<1x512xi32>
    %and3A_569 = arith.andi %not3A_566, %and3A_568 : vector<1x512xi32>
    %sub3A_570 = arith.constant 32768 : i32
    %sub3A_571 = vector.broadcast %sub3A_570 : i32 to vector<1x512xi32>
    %sub3A_572 = arith.subi %and3A_569, %sub3A_571 : vector<1x512xi32>
    %convert_element_type3A_573 = arith.trunci %sub3A_572 : vector<1x512xi32> to vector<1x512xi16>
    %lt3A = vector.broadcast %convert_element_type3A_573 : vector<1x512xi16> to vector<1024x512xi16>
    %lt3A_574 = arith.cmpi slt, %convert_element_type3A, %lt3A : vector<1024x512xi16>
    %jit3A_575 = arith.constant 1 : i16
    %jit3A_576 = arith.constant 0 : i16
    %broadcast_in_dim3A_577 = vector.broadcast %jit3A_575 : i16 to vector<1024x512xi16>
    %broadcast_in_dim3A_578 = vector.broadcast %jit3A_576 : i16 to vector<1024x512xi16>
    %select_n3A_579 = arith.select %lt3A_574, %broadcast_in_dim3A_577, %broadcast_in_dim3A_578 : vector<1024x512xi1>, vector<1024x512xi16>
    %slice3A_580 = vector.extract_strided_slice %select_n3A_579 {offsets = [0, 0], sizes = [512, 512], strides = [1, 1]} : vector<1024x512xi16> to vector<512x512xi16>
    %slice3A_581 = vector.extract_strided_slice %select_n3A_579 {offsets = [512, 0], sizes = [512, 512], strides = [1, 1]} : vector<1024x512xi16> to vector<512x512xi16>
    %add3A_582 = arith.addi %slice3A_580, %slice3A_581 : vector<512x512xi16>
    %slice3A_583 = vector.extract_strided_slice %add3A_582 {offsets = [0, 0], sizes = [256, 512], strides = [1, 1]} : vector<512x512xi16> to vector<256x512xi16>
    %slice3A_584 = vector.extract_strided_slice %add3A_582 {offsets = [256, 0], sizes = [256, 512], strides = [1, 1]} : vector<512x512xi16> to vector<256x512xi16>
    %add3A_585 = arith.addi %slice3A_583, %slice3A_584 : vector<256x512xi16>
    %slice3A_586 = vector.extract_strided_slice %add3A_585 {offsets = [0, 0], sizes = [128, 512], strides = [1, 1]} : vector<256x512xi16> to vector<128x512xi16>
    %slice3A_587 = vector.extract_strided_slice %add3A_585 {offsets = [128, 0], sizes = [128, 512], strides = [1, 1]} : vector<256x512xi16> to vector<128x512xi16>
    %add3A_588 = arith.addi %slice3A_586, %slice3A_587 : vector<128x512xi16>
    %slice3A_589 = vector.extract_strided_slice %add3A_588 {offsets = [0, 0], sizes = [64, 512], strides = [1, 1]} : vector<128x512xi16> to vector<64x512xi16>
    %slice3A_590 = vector.extract_strided_slice %add3A_588 {offsets = [64, 0], sizes = [64, 512], strides = [1, 1]} : vector<128x512xi16> to vector<64x512xi16>
    %add3A_591 = arith.addi %slice3A_589, %slice3A_590 : vector<64x512xi16>
    %slice3A_592 = vector.extract_strided_slice %add3A_591 {offsets = [0, 0], sizes = [32, 512], strides = [1, 1]} : vector<64x512xi16> to vector<32x512xi16>
    %slice3A_593 = vector.extract_strided_slice %add3A_591 {offsets = [32, 0], sizes = [32, 512], strides = [1, 1]} : vector<64x512xi16> to vector<32x512xi16>
    %add3A_594 = arith.addi %slice3A_592, %slice3A_593 : vector<32x512xi16>
    %slice3A_595 = vector.extract_strided_slice %add3A_594 {offsets = [0, 0], sizes = [16, 512], strides = [1, 1]} : vector<32x512xi16> to vector<16x512xi16>
    %slice3A_596 = vector.extract_strided_slice %add3A_594 {offsets = [16, 0], sizes = [16, 512], strides = [1, 1]} : vector<32x512xi16> to vector<16x512xi16>
    %add3A_597 = arith.addi %slice3A_595, %slice3A_596 : vector<16x512xi16>
    %convert_element_type3A_598 = arith.extsi %add3A_597 : vector<16x512xi16> to vector<16x512xi32>
    %reduce_sum3A_599 = arith.constant dense<0> : vector<512xi32>
    %reduce_sum3A_600 = vector.multi_reduction <add>, %convert_element_type3A_598, %reduce_sum3A_599 [0] : vector<16x512xi32> to vector<512xi32>
    %broadcast_in_dim3A_601 = vector.shape_cast %reduce_sum3A_600 : vector<512xi32> to vector<1x512xi32>
    %convert_element_type3A_602 = arith.sitofp %broadcast_in_dim3A_601 : vector<1x512xi32> to vector<1x512xf32>
    %jit3A_603 = arith.constant 0.000000e+00 : f32
    %broadcast_in_dim3A_604 = vector.broadcast %jit3A_603 : f32 to vector<1024x512xf32>
    %select_n3A_605 = arith.select %lt3A_574, %get3A_1, %broadcast_in_dim3A_604 : vector<1024x512xi1>, vector<1024x512xf32>
    %reduce_sum3A_606 = arith.constant dense<0.000000e+00> : vector<512xf32>
    %reduce_sum3A_607 = vector.multi_reduction <add>, %select_n3A_605, %reduce_sum3A_606 [0] : vector<1024x512xf32> to vector<512xf32>
    %broadcast_in_dim3A_608 = vector.shape_cast %reduce_sum3A_607 : vector<512xf32> to vector<1x512xf32>
    %shift_left3A_609 = arith.constant 16 : i32
    %shift_left3A_610 = vector.broadcast %shift_left3A_609 : i32 to vector<1x512xi32>
    %shift_left3A_611 = arith.shli %select_n3A_505, %shift_left3A_610 : vector<1x512xi32>
    %not3A_612 = arith.constant dense<-1> : vector<1x512xi32>
    %not3A_613 = arith.xori %shift_left3A_611, %not3A_612 : vector<1x512xi32>
    %and3A_614 = arith.constant -2147483648 : i32
    %and3A_615 = vector.broadcast %and3A_614 : i32 to vector<1x512xi32>
    %and3A_616 = arith.andi %not3A_613, %and3A_615 : vector<1x512xi32>
    %ne3A_617 = arith.constant 0 : i32
    %ne3A_618 = vector.broadcast %ne3A_617 : i32 to vector<1x512xi32>
    %ne3A_619 = arith.cmpi ne, %and3A_616, %ne3A_618 : vector<1x512xi32>
    %xor3A_620 = arith.constant -2147483648 : i32
    %xor3A_621 = vector.broadcast %xor3A_620 : i32 to vector<1x512xi32>
    %xor3A_622 = arith.xori %not3A_613, %xor3A_621 : vector<1x512xi32>
    %not3A_623 = arith.constant dense<-1> : vector<1x512xi32>
    %not3A_624 = arith.xori %not3A_613, %not3A_623 : vector<1x512xi32>
    %select_n3A_625 = arith.select %ne3A_619, %xor3A_622, %not3A_624 : vector<1x512xi1>, vector<1x512xi32>
    %bitcast_convert_type3A_626 = tpu.bitcast %select_n3A_625 : vector<1x512xi32> -> vector<1x512xf32>
    %sub3A_627 = arith.constant 2.050000e+02 : f32
    %sub3A_628 = vector.broadcast %sub3A_627 : f32 to vector<1x512xf32>
    %sub3A_629 = arith.subf %sub3A_628, %convert_element_type3A_602 : vector<1x512xf32>
    %mul3A_630 = arith.mulf %sub3A_629, %bitcast_convert_type3A_626 : vector<1x512xf32>
    %add3A_631 = arith.addf %broadcast_in_dim3A_608, %mul3A_630 : vector<1x512xf32>
    %mul3A_632 = arith.constant 0.00487804879 : f32
    %mul3A_633 = vector.broadcast %mul3A_632 : f32 to vector<1x512xf32>
    %mul3A_634 = arith.mulf %add3A_564, %mul3A_633 : vector<1x512xf32>
    %mul3A_635 = arith.constant 0.00341463415 : f32
    %mul3A_636 = vector.broadcast %mul3A_635 : f32 to vector<1x512xf32>
    %mul3A_637 = arith.mulf %add3A_631, %mul3A_636 : vector<1x512xf32>
    %add3A_638 = arith.addf %mul3A_634, %mul3A_637 : vector<1x512xf32>
    %mul3A_639 = arith.constant 5.000000e-01 : f32
    %mul3A_640 = vector.broadcast %mul3A_639 : f32 to vector<1x512xf32>
    %mul3A_641 = arith.mulf %add3A_638, %mul3A_640 : vector<1x512xf32>
    %swap3A = arith.constant 0 : index
    %swap3A_642 = arith.constant 0 : index
    %swap3A_643 = vector.load %arg2[%swap3A, %swap3A_642] : memref<1x512xf32, #tpu.memory_space<vmem>>, vector<1x512xf32>
    tpu.vector_store %arg2[%swap3A, %swap3A_642], %mul3A_641 {strides = array<i32>} : memref<1x512xf32, #tpu.memory_space<vmem>>, vector<1x512xf32>,
    return
  }
  func.func @transform_0(%arg0: i32) -> (i32, i32) {
    %c0_i32 = arith.constant 0 : i32
    %c0_i32_0 = arith.constant 0 : i32
    return %c0_i32, %arg0 : i32, i32
  }
  func.func @transform_1(%arg0: i32) -> (i32, i32) {
    %c0_i32 = arith.constant 0 : i32
    %c0_i32_0 = arith.constant 0 : i32
    return %c0_i32, %arg0 : i32, i32
  }
}

</mosaic_0001>

<sc_bundles>
// kernel: sparse-core-data-format-call.cloned.1.call-start
scs
called_computation_lowered:
.L_overlay_start_0:
0x0: {  	s1 =	sld [smem:$0x3FD9]  }
0x1: {  	s2 =	sld [smem:$0x3FFE];
	_ =	sdelay $0x1  }
0x2: {  	s3 =	srdreg.scid  }
0x3: {  	s0 =	sand.u32 $0x1, s3  }
0x4: {  	s17 =	sshll.u32 s0, $0xA;
	s1 =	sadd.s32 s2, s1  }
0x5: {  	s1 =	sadd.s32 s1, s17  }
0x6: {  	[smem:$0x3FC7] =	sst s1  }
0x7: {  	_ = 	snop  }
0x8: {  	(tm) =	ssettm $0x1  }
0x9: {  	s18 =	sld [smem:$0x3FFB];
	_ =	sdelay $0x3  }
0xa: {  	_ =	strace s18  }
0xb: {  	s1 =	sld [smem:$0x3FFC];
	_ =	sdelay $0x3  }
0xc: {  	_ =	strace s1  }
0xd: {  	s1 =	sld [smem:$0x3FFD];
	_ =	sdelay $0x3  }
0xe: {  	_ =	strace s1  }
0xf: {  	_ =	strace $0x8FFFFFFF  }
0x10: {  	s19 =	sld [smem:$0x3FDB];
	_ =	sdelay $0x1  }
0x11: {  	s20 =	simm.s32 $_scs_section_size  }
0x12: {  	s4 =	simm.s32 $_size__tile_overlayer_lowered;
	s5 =	simm.s32 $_tile_overlayer_lowered  }
0x13: {  	s23 =	simm.s32 $0x1BFF;
	s22 =	sshll.u32 s5, $0x1;
	s1 =	sadd.s32 s20, s19  }
0x14: {  	s6 =	simm.s32 $0x0;
	s21 =	sshll.u32 s4, $0x1;
	s4 =	sadd.s32 s22, s1  }
0x15: {  	[timem:s6], [sflag:s23] =	dma.local [hbm:s4], s21  }
0x16: {  	_ =	swait.ge [sflag:s23], s21  }
0x17: {  	s2 =	ssub.s32 $0x0, s21;
	[sflag:s23] =	ssyncset.done $0x0  }
0x18: {  	[sflag:s23] =	ssyncadd.s32 s2;
	_ =	sdelay $0x1  }
0x19: {  	s24 =	simm.s32 $0x1B8B  }
0x1a: {  	_ =	swait.ge [sflag:s24], $0x1  }
0x1b: {  	[sflag:s24] =	ssyncset.done $0x0  }
0x1c: {  	s26 =	simm.s32 $0x1B8E;
	s25 =	sld [smem:$0x3FFE];
	[sflag:s24] =	ssyncadd.s32 $0xFFFFFFFF  }
0x1d: {  	s27 =	simm.s32 $execute0_lowered;
	[smem:$0x3FD2] =	sst s26  }
0x1e: {  	s4 =	sshll.u32 s27, $0x1;
	_ =	strace $0x80000046;
	[dreg:$0x1] =	wrdreg $0xFFFFFFFF  }
0x1f: {  	s28 =	simm.s32 $_size_execute0_lowered;
	s1 =	sadd.s32 s1, s4;
	[dreg:$0x0] =	wrdreg $0x0  }
0x20: {  	s4 =	sshll.u32 s28, $0x1;
	[dreg:$0x2] =	wrdreg s1  }
0x21: {  	[dreg:$0x3] =	wrdreg s4  }
0x22: {  	[dreg:$0x4] =	wrdreg $0xC0  }
0x23: {  	_ =	task [dreg:s6], $0x5FFFF  }
0x24: {  	[dreg:$0x1] =	wrdreg $0xFFFFFFFF  }
0x25: {  	[dreg:$0x0] =	wrdreg $0x60  }
0x26: {  	[dreg:$0x2] =	wrdreg s25  }
0x27: {  	[dreg:$0x3] =	wrdreg $0x9  }
0x28: {  	_ =	task.clear_ibuf [dreg:s6], $0x4FFFF;
	_ =	strace $0x90000046  }
0x29: {  	s29 =	simm.s32 $0x9;
	_ =	strace $0x80000048  }
0x2a: {  	_ =	swait.ge [sflag:s29], $0x1  }
0x2b: {  	[sflag:s29] =	ssyncadd.s32 $0xFFFFFFFF  }
0x2c: {  	_ =	strace $0x90000048  }
0x2d: {  	_ =	sfence  }
0x2e: {  	s30 =	sld [smem:$0x0];
	_ =	sdelay $0x2  }
0x2f: {  	s31 =	sshll.u32 s3, $0xD;
	s3 =	sshrl.u32 s3, $0x2  }
0x30: {  	s2 =	sand.u32 $0x4000, s31;
	s1 =	sadd.s32 s3, s30  }
0x31: {  	s0 =	sor.u32 s2, s0;
	s1 =	sshll.u32 s1, $0x11  }
0x32: {  	s0 =	sor.u32 s1, s0  }
0x33: {  	s0 =	sadd.s32 $0x8F2B, s0  }
0x34: {  	[sflag:s0] =	ssyncadd.remote.s32 $0x1  }
0x35: {  	_ =	sfence.sel $0xFFFF  }
0x36: {  	[dreg:$0x0] =	wrdreg $0xFFFFFFFF;
	(pc) =	sbr.abs _section_cstart, $3  }
0x37: {  	[dreg:$0x1] =	wrdreg $0xFFFFFFFF  }
0x38: {  	_ =	task.clear_ibuf [dreg:s6], $0x2FFFF;
	_ =	strace $0x9FFFFFFF  }
0x39: {  	(tm) =	ssettm $0x7FFFFFFF  }
tec
execute0_lowered:
.L_overlay_start_1:
0x0: {  	(tag) =	ssettag $0x1  }
0x1: {  	s2 =	rddreg [dreg:$0x0]  }
0x2: {  	s0 =	rddreg [dreg:$0x1];
	_ =	strace $0x80000047;
	s4 =	srdreg.scid  }
0x3: {  	s1 =	stileid.u32;
	s6 =	simm.s32 $0x2;
	s13 =	simm.s32 $0x0  }
0x4: {  	p0 =	por $0x0, $0x0;
	s12 =	simm.s32 $0x0;
	s15 =	simm.s32 $0x0  }
.Ltmp0:
0x5: {  	s14 =	simm.s32 $0x0;
	s8 =	simm.s32 $0x0;
	(pc) =	sbr.rel .LBB1_1-.Ltmp0, $4  }
0x6: {  	s9 =	simm.s32 $0x0;
	s10 =	simm.s32 $0x0;
	s5 =	sshll.u32 s4, $0x4  }
0x7: {  	s7 =	simm.s32 $0x0;
	s4 =	simm.s32 $0x1;
	s5 =	sand.u32 $0x10, s5  }
0x8: {  	s3 =	sadd.s32 $0x300000, s2;
	[sflag:s4] =	ssyncpa.u1 $0x0;
	s5 =	sor.u32 s1, s5  }
0x9: {  	[sflag:s6] =	ssyncpa.u1 $0x0;
	s6 =	simm.s32 $0x1800;
	s11 =	smov.u32 s5  }
.LBB1_7:
0xa: {  	s16 =	sadd.s32 $0x80, s8  }
0xb: {  	s12 =	sadd.s32 $0x20, s9;
	s17 =	smov.u32 s9;
	p2 =	sgt.s32 s16, $0x2FF  }
0xc: {  	s17 =	smov.u32 @p2 s12  }
0xd: {  	s18 =	smov.u32 s10;
	s12 =	sadd.s32 $0x4, s10;
	p3 =	sgt.s32 s17, $0x1F  }
0xe: {  	s18 =	smov.u32 @p3 s12  }
0xf: {  	s19 =	smov.u32 s11;
	s12 =	sadd.s32 $0x20, s11;
	p4 =	sgt.s32 s18, $0x7  }
0x10: {  	p1 =	slt.u32 s7, $0x2;
	s19 =	smov.u32 @p4 s12  }
0x11: {  	s7 =	sadd.s32 $0x1, s7;
	s16 =	simm.s32 @p2 $0x0;
	p2 =	sgt.s32 s19, $0x7F  }
0x12: {  	s13 =	smov.u32 s8;
	s19 =	smov.u32 @p2 s5;
	p2 =	sne.s32 s7, $0x32  }
.Ltmp1:
0x13: {  	s15 =	smov.u32 s10;
	s20 =	simm.s32 @!p1 $0x2;
	(pc) =	sbr.rel @!p2 .LBB1_8-.Ltmp1, $4  }
0x14: {  	s14 =	smov.u32 s11;
	p0 =	por !p0, !p0;
	_ =	swait.ge @!p1 [sflag:s20], $0x4000  }
0x15: {  	[sflag:s20] =	ssyncset.done @!p1 $0x0;
	s8 =	smov.u32 s16;
	s17 =	simm.s32 @p3 $0x0  }
0x16: {  	[sflag:s20] =	ssyncadd.s32 @!p1 $0xFFFFC000;
	s18 =	simm.s32 @p4 $0x0;
	s12 =	smov.u32 s9  }
0x17: {  	s9 =	smov.u32 s17;
	s10 =	smov.u32 s18;
	s11 =	smov.u32 s19  }
.LBB1_1:
0x18: {  	p1 =	sgt.u32 s7, $0x2F  }
0x19: {  	s16 =	sshrl.u32 @!p1 s9, $0x3  }
0x1a: {  	s17 =	sshll.u32 @!p1 s8, $0x3;
	s16 =	smul.u32 @!p1 $0x1800, s16  }
0x1b: {  	s18 =	sshll.u32 @!p1 s9, $0x7;
	s17 =	sand.u32 @!p1 $0xFFFFFC00, s17  }
0x1c: {  	s16 =	sadd.s32 @!p1 s16, s17;
	s17 =	sand.u32 @!p1 $0x380, s18  }
0x1d: {  	s18 =	sand.u32 @!p1 $0x7F, s8;
	s16 =	sor.u32 @!p1 s17, s16  }
0x1e: {  	s17 =	sor.u32 @!p1 s18, s16  }
0x1f: {  	s18 =	smulhi.u32 @!p1 $0xAAAAAAAB, s17  }
0x20: {  	s16 =	smulhi.u32 @!p1 $0xAAAAAAAB, s16  }
0x21: {  	s20 =	smul.u32 @!p1 $0x6000, s11;
	s18 =	sshrl.u32 @!p1 s18, $0x9  }
0x22: {  	s19 =	sxor.u32 @!p1 $0xFFFFFFFF, s7;
	s16 =	sshrl.u32 @!p1 s16, $0x9;
	s18 =	smul.u32 @!p1 $0x300, s18  }
0x23: {  	s21 =	smul.u32 @!p1 $0xC00, s10;
	s19 =	sshll.u32 @!p1 s19, $0xE;
	s16 =	sand.u32 @!p1 $0x1F, s16  }
0x24: {  	s16 =	smul.u32 @!p1 $0x60, s16;
	s17 =	ssub.s32 @!p1 s17, s18;
	s18 =	sadd.s32 @!p1 s2, s20  }
0x25: {  	s19 =	sand.u32 @!p1 $0x4000, s19;
	s18 =	sadd.s32 @!p1 s21, s18;
	s20 =	sand.u32 @!p1 $0x7, s17  }
0x26: {  	s17 =	sshrl.u32 @!p1 s17, $0x3;
	s16 =	sadd.s32 @!p1 s16, s18;
	s18 =	sshll.u32 @!p1 s20, $0x12  }
0x27: {  	s16 =	sadd.s32 @!p1 s17, s16;
	s17 =	sor.u32 @!p1 $0x400, s18;
	s18 =	simm.s32 @!p1 $0x1800  }
0x28: {  	[tilespmem:s19], [sflag:$0x1] =	stream.strided.gather @!p1 [hbm4b:s16+s17], $0x4000, s18, s17, $0x38;
	[tilespmem:$0x10000] =	vst v63  }
0x29: {  	p1 =	seq.s32 s7, $0x0  }
0x2a: {  	p2 =	seq.s32 @!p1 s7, $0x31  }
0x2b: {  	p1 =	por p1, p2  }
.Ltmp2:
0x2c: {  	_ = 	snop;
	(pc) =	sbr.rel @p1 .LBB1_7-.Ltmp2, $1  }
0x2d: {  	_ =	sdelay $0x3  }
0x2e: {  	s16 =	simm.s32 $0x1;
	_ =	swait.ge [sflag:s4], $0x4000;
	s19 =	sshll.u32 s7, $0xE  }
0x2f: {  	s16 =	simm.s32 @!p0 $0x0;
	[sflag:s4] =	ssyncset.done $0x0;
	s31 =	sand.u32 $0x4000, s19  }
0x30: {  	s19 =	simm.s32 $0x0;
	s16 =	sshll.u32 s16, $0xE;
	[sflag:s4] =	ssyncadd.s32 $0xFFFFC000  }
0x31: {  	s17 =	sor.u32 $0x8040, s16;
	s18 =	sor.u32 $0x40, s16;
	s16 =	sor.u32 $0x8000, s31  }
.LBB1_3:
0x32: {  	v0 =	vmov s18;
	_ =	sdelay $0x3  }
0x33: {  	s21 =	simm.s32 $0x0  }
0x34: {  	v6 =	vld.idx.msk [tilespmem:v0+s21+$0x30 ss:$0x1], $0xffff  }
0x35: {  	v7 =	vld.idx.msk [tilespmem:v0+s21+$0xFFFFFFC0 ss:$0x1], $0xffff  }
0x36: {  	v5 =	vld.idx.msk [tilespmem:v0+s21+$0xFFFFFFD0 ss:$0x1], $0xffff  }
0x37: {  	v4 =	vld.idx.msk [tilespmem:v0+s21+$0xFFFFFFE0 ss:$0x1], $0xffff  }
0x38: {  	v3 =	vld.idx.msk [tilespmem:v0+s21+$0xFFFFFFF0 ss:$0x1], $0xffff  }
0x39: {  	v1 =	vld.idx.msk [tilespmem:v0+s21+$0x0 ss:$0x1], $0xffff  }
0x3a: {  	v2 =	vld.idx.msk [tilespmem:v0+s21+$0x10 ss:$0x1], $0xffff;
	[tilespmem:s17+$0x30] =	vst v6  }
0x3b: {  	s20 =	simm.s32 $0x80;
	s22 =	simm.s32 $0x400;
	[tilespmem:s17+$0xFFFFFFC0] =	vst v7;
	v6 =	vld.idx.msk [tilespmem:v0+s21+$0x20 ss:$0x1], $0xffff;
	s21 =	smov.u32 s17  }
.LBB1_4:
0x3c: {  	p1 =	sne.s32 s22, $0x3E00;
	v7 =	vld.idx.msk [tilespmem:v0+s20+$0x30 ss:$0x1], $0xffff;
	[tilespmem:s21+$0xFFFFFFD0] =	vst v5  }
0x3d: {  	v8 =	vld.idx.msk [tilespmem:v0+s20+$0xFFFFFFC0 ss:$0x1], $0xffff;
	[tilespmem:s21+$0xFFFFFFE0] =	vst v4  }
0x3e: {  	v5 =	vld.idx.msk [tilespmem:v0+s20+$0xFFFFFFD0 ss:$0x1], $0xffff;
	[tilespmem:s21+$0xFFFFFFF0] =	vst v3  }
.Ltmp3:
0x3f: {  	v4 =	vld.idx.msk [tilespmem:v0+s20+$0xFFFFFFE0 ss:$0x1], $0xffff;
	[tilespmem:s21+$0x0] =	vst v1;
	(pc) =	sbr.rel @p1 .LBB1_4-.Ltmp3, $4  }
0x40: {  	v3 =	vld.idx.msk [tilespmem:v0+s20+$0xFFFFFFF0 ss:$0x1], $0xffff;
	[tilespmem:s21+$0x10] =	vst v2  }
0x41: {  	v1 =	vld.idx.msk [tilespmem:v0+s20+$0x0 ss:$0x1], $0xffff;
	[tilespmem:s21+$0x20] =	vst v6;
	s21 =	sadd.s32 $0x200, s21  }
0x42: {  	v2 =	vld.idx.msk [tilespmem:v0+s20+$0x10 ss:$0x1], $0xffff;
	[tilespmem:s21+$0x30] =	vst v7  }
0x43: {  	[tilespmem:s21+$0xFFFFFFC0] =	vst v8;
	v6 =	vld.idx.msk [tilespmem:v0+s20+$0x20 ss:$0x1], $0xffff;
	s20 =	sshra.s32 s22, $0x2;
	s22 =	sadd.s32 $0x200, s22  }
0x44: {  	_ =	sdelay $0x2  }
0x45: {  	[tilespmem:s21+$0xFFFFFFD0] =	vst v5  }
0x46: {  	v56 =	vld.idx.msk [tilespmem:v0+s20+$0x30 ss:$0x1], $0xffff;
	[tilespmem:s21+$0xFFFFFFE0] =	vst v4  }
0x47: {  	v57 =	vld.idx.msk [tilespmem:v0+s20+$0xFFFFFFC0 ss:$0x1], $0xffff;
	[tilespmem:s21+$0xFFFFFFF0] =	vst v3  }
0x48: {  	v58 =	vld.idx.msk [tilespmem:v0+s20+$0xFFFFFFD0 ss:$0x1], $0xffff;
	[tilespmem:s21+$0x0] =	vst v1  }
0x49: {  	v59 =	vld.idx.msk [tilespmem:v0+s20+$0xFFFFFFE0 ss:$0x1], $0xffff;
	[tilespmem:s21+$0x10] =	vst v2  }
0x4a: {  	v60 =	vld.idx.msk [tilespmem:v0+s20+$0xFFFFFFF0 ss:$0x1], $0xffff;
	s31 =	sadd.s32 $0x200, s21;
	[tilespmem:s21+$0x20] =	vst v6  }
0x4b: {  	v61 =	vld.idx.msk [tilespmem:v0+s20+$0x0 ss:$0x1], $0xffff;
	[tilespmem:s31+$0x30] =	vst v56  }
0x4c: {  	v62 =	vld.idx.msk [tilespmem:v0+s20+$0x10 ss:$0x1], $0xffff;
	s19 =	sadd.s32 $0x1, s19;
	[tilespmem:s31+$0xFFFFFFC0] =	vst v57  }
0x4d: {  	v63 =	vld.idx.msk [tilespmem:v0+s20+$0x20 ss:$0x1], $0xffff;
	p1 =	sne.s32 s19, $0x4;
	[tilespmem:s31+$0xFFFFFFD0] =	vst v58  }
.Ltmp4:
0x4e: {  	[tilespmem:s31+$0xFFFFFFE0] =	vst v59;
	(pc) =	sbr.rel @p1 .LBB1_3-.Ltmp4, $4  }
0x4f: {  	[tilespmem:s31+$0xFFFFFFF0] =	vst v60  }
0x50: {  	[tilespmem:s31+$0x0] =	vst v61  }
0x51: {  	[tilespmem:s31+$0x10] =	vst v62  }
0x52: {  	s17 =	sadd.s32 $0x80, s17;
	s18 =	sadd.s32 $0x1000, s18;
	[tilespmem:s31+$0x20] =	vst v63  }
0x53: {  	s17 =	sshrl.u32 s15, $0x3  }
0x54: {  	s18 =	sshll.u32 s13, $0x3;
	s17 =	smul.u32 $0x1800, s17  }
0x55: {  	s27 =	sshll.u32 s15, $0x7;
	s18 =	sand.u32 $0xFFFFFC00, s18  }
0x56: {  	s15 =	sand.u32 $0x380, s27;
	s17 =	sadd.s32 s17, s18  }
0x57: {  	s28 =	sand.u32 $0x7F, s13;
	s15 =	sor.u32 s15, s17  }
0x58: {  	s13 =	sor.u32 s28, s15;
	s15 =	smulhi.u32 $0xAAAAAAAB, s15  }
0x59: {  	s29 =	smulhi.u32 $0xAAAAAAAB, s13  }
0x5a: {  	s14 =	smul.u32 $0x6000, s14  }
0x5b: {  	s12 =	smul.u32 $0x300, s12;
	s15 =	sshrl.u32 s15, $0x9;
	s17 =	sshrl.u32 s29, $0x9  }
0x5c: {  	s15 =	sand.u32 $0x7, s15;
	s17 =	smul.u32 $0x300, s17  }
0x5d: {  	s15 =	smul.u32 $0x60, s15  }
.Ltmp5:
0x5e: {  	s14 =	sadd.s32 s3, s14;
	s13 =	ssub.s32 s13, s17;
	(pc) =	sbr.rel .LBB1_7-.Ltmp5, $4  }
0x5f: {  	s12 =	sadd.s32 s12, s14;
	s30 =	sand.u32 $0x7, s13  }
0x60: {  	s12 =	sadd.s32 s15, s12;
	s13 =	sshrl.u32 s13, $0x3;
	s14 =	sshll.u32 s30, $0x12  }
0x61: {  	s12 =	sadd.s32 s13, s12;
	s31 =	sor.u32 $0x200, s14  }
0x62: {  	[hbm4b:s12+s31] =	stream.strided.scatter [tilespmem:s16], [sflag:$0x2], $0x4000, s6, s31, $0x38;
	[tilespmem:$0x10000] =	vst v63  }
.LBB1_8:
0x63: {  	_ =	sfence.sel $0x180000  }
0x64: {  	s2 =	simm.s32 $0x1;
	[bflag:$0x0] =	sbarrier.arrive $0xFFFF  }
0x65: {  	s31 =	simm.s32 $0x2;
	[sflag:s2] =	ssyncpa.u1 $0x1  }
0x66: {  	[sflag:s31] =	ssyncpa.u1 $0x1  }
0x67: {  	p0 =	sne.s32 s1, $0x0;
	_ =	strace $0x90000047  }
0x68: {  	s0 =	sadd.s32 @!p0 $0x100000, s0;
	[bflag:$0x2] =	sbarrier.arrive $0xFFFF  }
0x69: {  	[sflag:s0] =	ssyncadd.tile.s32 @!p0 $0x1;
	_ =	shalt  }
.Lfunc_end1:
_tile_overlayer_lowered:
.L_overlay_start_2:
0x6a: {  	(tag) =	ssettag $0x2  }
0x6b: {  	s0 =	rddreg [dreg:$0x0];
	s2 =	stileid.u32  }
0x6c: {  	s1 =	rddreg [dreg:$0x1];
	p0 =	sne.s32 s2, $0x0  }
0x6d: {  	s3 =	rddreg [dreg:$0x2];
	[bflag:$0x3] =	sbarrier.arrive $0xFFFF;
	s2 =	simm.s32 @!p0 $0x1C01  }
0x6e: {  	[timem:s3], [sflag:s2] =	dma.local @!p0 [hbm:s0], s1  }
0x6f: {  	s0 =	simm.s32 @!p0 $0x1  }
0x70: {  	_ =	swait.ge @!p0 [sflag:s0], s1  }
0x71: {  	s1 =	ssub.s32 @!p0 $0x0, s1;
	[sflag:s0] =	ssyncset.done @!p0 $0x0  }
0x72: {  	[sflag:s0] =	ssyncadd.s32 @!p0 s1  }
0x73: {  	[bflag:$0x3] =	sbarrier.arrive $0xFFFF  }
0x74: {  	_ =	shalt  }

</sc_bundles>
